<compile_context>
chip_gen: v7x
topology: tpu7x:2x2x1
jax: 0.10.2.dev20260603
libtpu: 0.0.44.dev20260713+nightly
codegen_flags: <defaults>
</compile_context>

<pallas_src>
import functools

import jax
import jax.numpy as jnp
from jax import lax
from jax.experimental import pallas as pl
from jax.experimental.pallas import tpu as pltpu
from jax.experimental.pallas import tpu_sc as plsc

N = 6_400_000
NUM_CORES = 2
NUM_SUBCORES = 16
NW = NUM_CORES * NUM_SUBCORES
T = N // NW
S = 10_000
R = T // S
NBUF = 4


def kernel(edge_weights, edge_index):
    mesh = plsc.VectorSubcoreMesh(
        core_axis_name="c", subcore_axis_name="s",
        num_cores=NUM_CORES, num_subcores=NUM_SUBCORES,
    )

    @functools.partial(
        pl.kernel,
        mesh=mesh,
        out_type=jax.ShapeDtypeStruct((N,), jnp.float32),
        scratch_types=(
            [pltpu.VMEM((S,), jnp.int32) for _ in range(NBUF)]
            + [pltpu.VMEM((S,), jnp.float32) for _ in range(NBUF)]
            + [pltpu.SemaphoreType.DMA for _ in range(4 * NBUF)]
        ),
    )
    def gather_kernel(w_hbm, idx_hbm, out_hbm, *scratch):
        ix = scratch[0:NBUF]
        vv = scratch[NBUF:2 * NBUF]
        s_in = scratch[2 * NBUF:3 * NBUF]
        s_g = scratch[3 * NBUF:4 * NBUF]
        s_o = scratch[4 * NBUF:5 * NBUF]
        s_g2 = scratch[5 * NBUF:6 * NBUF]

        wid = lax.axis_index("s") * NUM_CORES + lax.axis_index("c")
        base = wid * T

        H1 = 5_120
        H2 = S - H1

        class _GPair:
            def __init__(self, b):
                self.c1 = pltpu.make_async_copy(
                    w_hbm.at[ix[b].at[pl.ds(0, H1)]],
                    vv[b].at[pl.ds(0, H1)], s_g[b])
                self.c2 = pltpu.make_async_copy(
                    w_hbm.at[ix[b].at[pl.ds(H1, H2)]],
                    vv[b].at[pl.ds(H1, H2)], s_g2[b])

            def start(self):
                self.c1.start()
                self.c2.start()

            def wait(self):
                self.c1.wait()
                self.c2.wait()

        def g_copy(b):
            return _GPair(b)

        def out_copy(r, b):
            return pltpu.make_async_copy(
                vv[b], out_hbm.at[pl.ds(base + r * S, S)], s_o[b])

        def in_copy_d(r, b):
            return pltpu.make_async_copy(
                idx_hbm.at[pl.ds(base + r * S, S)], ix[b], s_in[b])

        def round_step(r, b, *, drain_out, wait_prev_g, prefetch):
            if drain_out:
                out_copy(r - NBUF, b).wait()
            in_copy_d(r, b).wait()
            g_copy(b).start()
            if wait_prev_g:
                pb = (b - 1) % NBUF
                g_copy(pb).wait()
                out_copy(r - 1, pb).start()
            if prefetch:
                nb = (b - 1) % NBUF
                in_copy_d(r + NBUF - 1, nb).start()

        for r in range(NBUF - 1):
            in_copy_d(r, r % NBUF).start()
        round_step(0, 0, drain_out=False, wait_prev_g=False, prefetch=True)
        for r in range(1, NBUF):
            round_step(r, r % NBUF, drain_out=False, wait_prev_g=True,
                       prefetch=True)

        def steady(i, carry):
            r0 = NBUF + i * NBUF
            for b in range(NBUF):
                round_step(r0 + b, b, drain_out=True, wait_prev_g=True,
                           prefetch=True)
            return carry

        n_steady = (R - NBUF) // NBUF - 1
        lax.fori_loop(0, n_steady, steady, 0)

        r0 = NBUF + n_steady * NBUF
        for b in range(NBUF):
            round_step(r0 + b, b, drain_out=True, wait_prev_g=True,
                       prefetch=(r0 + b + NBUF - 1 < R))

        r0 += NBUF
        for b in range(R - r0):
            round_step(r0 + b, b, drain_out=True, wait_prev_g=True,
                       prefetch=False)
        last_b = (R - 1) % NBUF
        g_copy(last_b).wait()
        out_copy(R - 1, last_b).start()
        for k in range(NBUF):
            out_copy(R - NBUF + k, (R - NBUF + k) % NBUF).wait()

    return gather_kernel(edge_weights, edge_index)

# --- scband reference (transcript-rebuilt; emitter-appended) ---
"""Pipeline reference for scband-edge-weight-updater-74174085202179 (READ-ONLY COPY).

The authoritative reference and input builder live on the scoring server;
editing this copy changes nothing except your own understanding.
"""

import jax, jax.numpy as jnp
import numpy as np

NUM_EDGES = 6400000

def setup_inputs(seed: int = 0) -> dict:
    key = jax.random.key(seed)
    # Learned parameter: per-edge scalar weights for edge type 'to',
    # initialized like torch.rand (uniform [0, 1)).
    edge_weights = jax.random.uniform(jax.random.fold_in(key, 1), (NUM_EDGES,), dtype=jnp.float32)
    # Forward arg: indices into the edge-weight table.
    edge_index = jax.random.randint(jax.random.fold_in(key, 2), (NUM_EDGES,), 0, NUM_EDGES, dtype=jnp.int32)
    return {"edge_weights": edge_weights, "edge_index": edge_index}

def reference(edge_weights, edge_index):
    # EdgeWeightUpdater.forward: self.edge_weights_dict[edge_type][edge_index]
    # Single edge type ('to'), so the dict lookup reduces to one table gather.
    return jnp.take(edge_weights, edge_index, axis=0)

if __name__ == "__main__":
    import jax
    _d = setup_inputs()
    print(jax.jit(kernel)(*tuple(_d.values())))

</pallas_src>

<mosaic_0001>
#map = affine_map<(d0, d1) -> (0)>
module attributes {stable_mosaic.version = 14 : i64} {
  func.func @gather_kernel(%arg0: i32, %arg1: i32, %arg2: memref<6400000xf32, #tpu.memory_space<hbm>>, %arg3: memref<6400000xi32, #tpu.memory_space<hbm>>, %arg4: memref<6400000xf32, #tpu.memory_space<hbm>>, %arg5: memref<10000xi32, #tpu.memory_space<vmem>>, %arg6: memref<10000xi32, #tpu.memory_space<vmem>>, %arg7: memref<10000xi32, #tpu.memory_space<vmem>>, %arg8: memref<10000xi32, #tpu.memory_space<vmem>>, %arg9: memref<10000xf32, #tpu.memory_space<vmem>>, %arg10: memref<10000xf32, #tpu.memory_space<vmem>>, %arg11: memref<10000xf32, #tpu.memory_space<vmem>>, %arg12: memref<10000xf32, #tpu.memory_space<vmem>>, %arg13: memref<!tpu.dma_semaphore, #tpu.memory_space<semaphore_mem>>, %arg14: memref<!tpu.dma_semaphore, #tpu.memory_space<semaphore_mem>>, %arg15: memref<!tpu.dma_semaphore, #tpu.memory_space<semaphore_mem>>, %arg16: memref<!tpu.dma_semaphore, #tpu.memory_space<semaphore_mem>>, %arg17: memref<!tpu.dma_semaphore, #tpu.memory_space<semaphore_mem>>, %arg18: memref<!tpu.dma_semaphore, #tpu.memory_space<semaphore_mem>>, %arg19: memref<!tpu.dma_semaphore, #tpu.memory_space<semaphore_mem>>, %arg20: memref<!tpu.dma_semaphore, #tpu.memory_space<semaphore_mem>>, %arg21: memref<!tpu.dma_semaphore, #tpu.memory_space<semaphore_mem>>, %arg22: memref<!tpu.dma_semaphore, #tpu.memory_space<semaphore_mem>>, %arg23: memref<!tpu.dma_semaphore, #tpu.memory_space<semaphore_mem>>, %arg24: memref<!tpu.dma_semaphore, #tpu.memory_space<semaphore_mem>>, %arg25: memref<!tpu.dma_semaphore, #tpu.memory_space<semaphore_mem>>, %arg26: memref<!tpu.dma_semaphore, #tpu.memory_space<semaphore_mem>>, %arg27: memref<!tpu.dma_semaphore, #tpu.memory_space<semaphore_mem>>, %arg28: memref<!tpu.dma_semaphore, #tpu.memory_space<semaphore_mem>>) attributes {dimension_semantics = [#tpu.dimension_semantics<core_parallel>, #tpu.dimension_semantics<subcore_parallel>], iteration_bounds = array<i64: 2, 16>, scalar_prefetch = 0 : i64, scratch_operands = 24 : i64, tpu.core_type = #tpu.core_type<sc_vector_subcore>, window_params = [{transform_indices = #map}, {transform_indices = #map}, {transform_indices = #map}]} {
    %mul3A = arith.constant 2 : i32
    %mul3A_0 = arith.muli %arg1, %mul3A : i32
    %add3A = arith.addi %mul3A_0, %arg0 : i32
    %mul3A_1 = arith.constant 200000 : i32
    %mul3A_2 = arith.muli %add3A, %mul3A_1 : i32
    %add3A_3 = arith.constant 0 : i32
    %add3A_4 = arith.addi %mul3A_2, %add3A_3 : i32
    %dma_start3A = tpu.memref_slice %arg3[%add3A_4] : memref<6400000xi32, #tpu.memory_space<hbm>> -> memref<10000xi32, #tpu.memory_space<hbm>>
    %dma_start3A_5 = tpu.memref_slice %arg3[%add3A_4] : memref<6400000xi32, #tpu.memory_space<hbm>> -> memref<10000xi32, #tpu.memory_space<hbm>>
    tpu.enqueue_dma source(%dma_start3A_5 : memref<10000xi32, #tpu.memory_space<hbm>>) target(%arg5 : memref<10000xi32, #tpu.memory_space<vmem>>) target_semaphore(%arg13 : memref<!tpu.dma_semaphore, #tpu.memory_space<semaphore_mem>>)
    %add3A_6 = arith.constant 10000 : i32
    %add3A_7 = arith.addi %mul3A_2, %add3A_6 : i32
    %dma_start3A_8 = tpu.memref_slice %arg3[%add3A_7] : memref<6400000xi32, #tpu.memory_space<hbm>> -> memref<10000xi32, #tpu.memory_space<hbm>>
    %dma_start3A_9 = tpu.memref_slice %arg3[%add3A_7] : memref<6400000xi32, #tpu.memory_space<hbm>> -> memref<10000xi32, #tpu.memory_space<hbm>>
    tpu.enqueue_dma source(%dma_start3A_9 : memref<10000xi32, #tpu.memory_space<hbm>>) target(%arg6 : memref<10000xi32, #tpu.memory_space<vmem>>) target_semaphore(%arg14 : memref<!tpu.dma_semaphore, #tpu.memory_space<semaphore_mem>>)
    %add3A_10 = arith.constant 20000 : i32
    %add3A_11 = arith.addi %mul3A_2, %add3A_10 : i32
    %dma_start3A_12 = tpu.memref_slice %arg3[%add3A_11] : memref<6400000xi32, #tpu.memory_space<hbm>> -> memref<10000xi32, #tpu.memory_space<hbm>>
    %dma_start3A_13 = tpu.memref_slice %arg3[%add3A_11] : memref<6400000xi32, #tpu.memory_space<hbm>> -> memref<10000xi32, #tpu.memory_space<hbm>>
    tpu.enqueue_dma source(%dma_start3A_13 : memref<10000xi32, #tpu.memory_space<hbm>>) target(%arg7 : memref<10000xi32, #tpu.memory_space<vmem>>) target_semaphore(%arg15 : memref<!tpu.dma_semaphore, #tpu.memory_space<semaphore_mem>>)
    %add3A_14 = arith.constant 0 : i32
    %add3A_15 = arith.addi %mul3A_2, %add3A_14 : i32
    %dma_wait3A = tpu.memref_slice %arg3[%add3A_15] : memref<6400000xi32, #tpu.memory_space<hbm>> -> memref<10000xi32, #tpu.memory_space<hbm>>
    %dma_wait3A_16 = tpu.memref_slice %arg3[%add3A_15] : memref<6400000xi32, #tpu.memory_space<hbm>> -> memref<10000xi32, #tpu.memory_space<hbm>>
    tpu.wait_dma2 semaphore(%arg13 : memref<!tpu.dma_semaphore, #tpu.memory_space<semaphore_mem>>) src(%dma_wait3A_16 : memref<10000xi32, #tpu.memory_space<hbm>>) dst(%arg5 : memref<10000xi32, #tpu.memory_space<vmem>>)
    %dma_start3A_17 = arith.constant 0 : i32
    %dma_start3A_18 = tpu.memref_slice %arg9[%dma_start3A_17] : memref<10000xf32, #tpu.memory_space<vmem>> -> memref<5120xf32, #tpu.memory_space<vmem>>
    %dma_start3A_19 = arith.constant 0 : i32
    %dma_start3A_20 = tpu.memref_slice %arg5[%dma_start3A_19] : memref<10000xi32, #tpu.memory_space<vmem>> -> memref<5120xi32, #tpu.memory_space<vmem>>
    %dma_start3A_21 = arith.constant 0 : i32
    %dma_start3A_22 = tpu.memref_slice %arg2[%dma_start3A_21] : memref<6400000xf32, #tpu.memory_space<hbm>> -> memref<6400000xf32, #tpu.memory_space<hbm>>
    tpu.enqueue_indirect_dma source(%dma_start3A_22 : memref<6400000xf32, #tpu.memory_space<hbm>>) target(%dma_start3A_18 : memref<5120xf32, #tpu.memory_space<vmem>>) offsets(%dma_start3A_20 : memref<5120xi32, #tpu.memory_space<vmem>>) semaphore(%arg17 : memref<!tpu.dma_semaphore, #tpu.memory_space<semaphore_mem>>)
    %dma_start3A_23 = arith.constant 5120 : i32
    %dma_start3A_24 = tpu.memref_slice %arg9[%dma_start3A_23] : memref<10000xf32, #tpu.memory_space<vmem>> -> memref<4880xf32, #tpu.memory_space<vmem>>
    %dma_start3A_25 = arith.constant 5120 : i32
    %dma_start3A_26 = tpu.memref_slice %arg5[%dma_start3A_25] : memref<10000xi32, #tpu.memory_space<vmem>> -> memref<4880xi32, #tpu.memory_space<vmem>>
    %dma_start3A_27 = arith.constant 0 : i32
    %dma_start3A_28 = tpu.memref_slice %arg2[%dma_start3A_27] : memref<6400000xf32, #tpu.memory_space<hbm>> -> memref<6400000xf32, #tpu.memory_space<hbm>>
    tpu.enqueue_indirect_dma source(%dma_start3A_28 : memref<6400000xf32, #tpu.memory_space<hbm>>) target(%dma_start3A_24 : memref<4880xf32, #tpu.memory_space<vmem>>) offsets(%dma_start3A_26 : memref<4880xi32, #tpu.memory_space<vmem>>) semaphore(%arg25 : memref<!tpu.dma_semaphore, #tpu.memory_space<semaphore_mem>>)
    %add3A_29 = arith.constant 30000 : i32
    %add3A_30 = arith.addi %mul3A_2, %add3A_29 : i32
    %dma_start3A_31 = tpu.memref_slice %arg3[%add3A_30] : memref<6400000xi32, #tpu.memory_space<hbm>> -> memref<10000xi32, #tpu.memory_space<hbm>>
    %dma_start3A_32 = tpu.memref_slice %arg3[%add3A_30] : memref<6400000xi32, #tpu.memory_space<hbm>> -> memref<10000xi32, #tpu.memory_space<hbm>>
    tpu.enqueue_dma source(%dma_start3A_32 : memref<10000xi32, #tpu.memory_space<hbm>>) target(%arg8 : memref<10000xi32, #tpu.memory_space<vmem>>) target_semaphore(%arg16 : memref<!tpu.dma_semaphore, #tpu.memory_space<semaphore_mem>>)
    %add3A_33 = arith.constant 10000 : i32
    %add3A_34 = arith.addi %mul3A_2, %add3A_33 : i32
    %dma_wait3A_35 = tpu.memref_slice %arg3[%add3A_34] : memref<6400000xi32, #tpu.memory_space<hbm>> -> memref<10000xi32, #tpu.memory_space<hbm>>
    %dma_wait3A_36 = tpu.memref_slice %arg3[%add3A_34] : memref<6400000xi32, #tpu.memory_space<hbm>> -> memref<10000xi32, #tpu.memory_space<hbm>>
    tpu.wait_dma2 semaphore(%arg14 : memref<!tpu.dma_semaphore, #tpu.memory_space<semaphore_mem>>) src(%dma_wait3A_36 : memref<10000xi32, #tpu.memory_space<hbm>>) dst(%arg6 : memref<10000xi32, #tpu.memory_space<vmem>>)
    %dma_start3A_37 = arith.constant 0 : i32
    %dma_start3A_38 = tpu.memref_slice %arg10[%dma_start3A_37] : memref<10000xf32, #tpu.memory_space<vmem>> -> memref<5120xf32, #tpu.memory_space<vmem>>
    %dma_start3A_39 = arith.constant 0 : i32
    %dma_start3A_40 = tpu.memref_slice %arg6[%dma_start3A_39] : memref<10000xi32, #tpu.memory_space<vmem>> -> memref<5120xi32, #tpu.memory_space<vmem>>
    %dma_start3A_41 = arith.constant 0 : i32
    %dma_start3A_42 = tpu.memref_slice %arg2[%dma_start3A_41] : memref<6400000xf32, #tpu.memory_space<hbm>> -> memref<6400000xf32, #tpu.memory_space<hbm>>
    tpu.enqueue_indirect_dma source(%dma_start3A_42 : memref<6400000xf32, #tpu.memory_space<hbm>>) target(%dma_start3A_38 : memref<5120xf32, #tpu.memory_space<vmem>>) offsets(%dma_start3A_40 : memref<5120xi32, #tpu.memory_space<vmem>>) semaphore(%arg18 : memref<!tpu.dma_semaphore, #tpu.memory_space<semaphore_mem>>)
    %dma_start3A_43 = arith.constant 5120 : i32
    %dma_start3A_44 = tpu.memref_slice %arg10[%dma_start3A_43] : memref<10000xf32, #tpu.memory_space<vmem>> -> memref<4880xf32, #tpu.memory_space<vmem>>
    %dma_start3A_45 = arith.constant 5120 : i32
    %dma_start3A_46 = tpu.memref_slice %arg6[%dma_start3A_45] : memref<10000xi32, #tpu.memory_space<vmem>> -> memref<4880xi32, #tpu.memory_space<vmem>>
    %dma_start3A_47 = arith.constant 0 : i32
    %dma_start3A_48 = tpu.memref_slice %arg2[%dma_start3A_47] : memref<6400000xf32, #tpu.memory_space<hbm>> -> memref<6400000xf32, #tpu.memory_space<hbm>>
    tpu.enqueue_indirect_dma source(%dma_start3A_48 : memref<6400000xf32, #tpu.memory_space<hbm>>) target(%dma_start3A_44 : memref<4880xf32, #tpu.memory_space<vmem>>) offsets(%dma_start3A_46 : memref<4880xi32, #tpu.memory_space<vmem>>) semaphore(%arg26 : memref<!tpu.dma_semaphore, #tpu.memory_space<semaphore_mem>>)
    %dma_wait3A_49 = arith.constant 0 : i32
    %dma_wait3A_50 = tpu.memref_slice %arg9[%dma_wait3A_49] : memref<10000xf32, #tpu.memory_space<vmem>> -> memref<5120xf32, #tpu.memory_space<vmem>>
    %dma_wait3A_51 = arith.constant 0 : i32
    %dma_wait3A_52 = tpu.memref_slice %arg5[%dma_wait3A_51] : memref<10000xi32, #tpu.memory_space<vmem>> -> memref<5120xi32, #tpu.memory_space<vmem>>
    %dma_wait3A_53 = arith.constant 0 : i32
    %dma_wait3A_54 = tpu.memref_slice %arg2[%dma_wait3A_53] : memref<6400000xf32, #tpu.memory_space<hbm>> -> memref<6400000xf32, #tpu.memory_space<hbm>>
    tpu.wait_indirect_dma semaphore(%arg17 : memref<!tpu.dma_semaphore, #tpu.memory_space<semaphore_mem>>) src(%dma_wait3A_54 : memref<6400000xf32, #tpu.memory_space<hbm>>) dst(%dma_wait3A_50 : memref<5120xf32, #tpu.memory_space<vmem>>)
    %dma_wait3A_55 = arith.constant 5120 : i32
    %dma_wait3A_56 = tpu.memref_slice %arg9[%dma_wait3A_55] : memref<10000xf32, #tpu.memory_space<vmem>> -> memref<4880xf32, #tpu.memory_space<vmem>>
    %dma_wait3A_57 = arith.constant 5120 : i32
    %dma_wait3A_58 = tpu.memref_slice %arg5[%dma_wait3A_57] : memref<10000xi32, #tpu.memory_space<vmem>> -> memref<4880xi32, #tpu.memory_space<vmem>>
    %dma_wait3A_59 = arith.constant 0 : i32
    %dma_wait3A_60 = tpu.memref_slice %arg2[%dma_wait3A_59] : memref<6400000xf32, #tpu.memory_space<hbm>> -> memref<6400000xf32, #tpu.memory_space<hbm>>
    tpu.wait_indirect_dma semaphore(%arg25 : memref<!tpu.dma_semaphore, #tpu.memory_space<semaphore_mem>>) src(%dma_wait3A_60 : memref<6400000xf32, #tpu.memory_space<hbm>>) dst(%dma_wait3A_56 : memref<4880xf32, #tpu.memory_space<vmem>>)
    %add3A_61 = arith.constant 0 : i32
    %add3A_62 = arith.addi %mul3A_2, %add3A_61 : i32
    %dma_start3A_63 = tpu.memref_slice %arg4[%add3A_62] : memref<6400000xf32, #tpu.memory_space<hbm>> -> memref<10000xf32, #tpu.memory_space<hbm>>
    %dma_start3A_64 = tpu.memref_slice %arg4[%add3A_62] : memref<6400000xf32, #tpu.memory_space<hbm>> -> memref<10000xf32, #tpu.memory_space<hbm>>
    tpu.enqueue_dma source(%arg9 : memref<10000xf32, #tpu.memory_space<vmem>>) target(%dma_start3A_64 : memref<10000xf32, #tpu.memory_space<hbm>>) target_semaphore(%arg21 : memref<!tpu.dma_semaphore, #tpu.memory_space<semaphore_mem>>)
    %add3A_65 = arith.constant 40000 : i32
    %add3A_66 = arith.addi %mul3A_2, %add3A_65 : i32
    %dma_start3A_67 = tpu.memref_slice %arg3[%add3A_66] : memref<6400000xi32, #tpu.memory_space<hbm>> -> memref<10000xi32, #tpu.memory_space<hbm>>
    %dma_start3A_68 = tpu.memref_slice %arg3[%add3A_66] : memref<6400000xi32, #tpu.memory_space<hbm>> -> memref<10000xi32, #tpu.memory_space<hbm>>
    tpu.enqueue_dma source(%dma_start3A_68 : memref<10000xi32, #tpu.memory_space<hbm>>) target(%arg5 : memref<10000xi32, #tpu.memory_space<vmem>>) target_semaphore(%arg13 : memref<!tpu.dma_semaphore, #tpu.memory_space<semaphore_mem>>)
    %add3A_69 = arith.constant 20000 : i32
    %add3A_70 = arith.addi %mul3A_2, %add3A_69 : i32
    %dma_wait3A_71 = tpu.memref_slice %arg3[%add3A_70] : memref<6400000xi32, #tpu.memory_space<hbm>> -> memref<10000xi32, #tpu.memory_space<hbm>>
    %dma_wait3A_72 = tpu.memref_slice %arg3[%add3A_70] : memref<6400000xi32, #tpu.memory_space<hbm>> -> memref<10000xi32, #tpu.memory_space<hbm>>
    tpu.wait_dma2 semaphore(%arg15 : memref<!tpu.dma_semaphore, #tpu.memory_space<semaphore_mem>>) src(%dma_wait3A_72 : memref<10000xi32, #tpu.memory_space<hbm>>) dst(%arg7 : memref<10000xi32, #tpu.memory_space<vmem>>)
    %dma_start3A_73 = arith.constant 0 : i32
    %dma_start3A_74 = tpu.memref_slice %arg11[%dma_start3A_73] : memref<10000xf32, #tpu.memory_space<vmem>> -> memref<5120xf32, #tpu.memory_space<vmem>>
    %dma_start3A_75 = arith.constant 0 : i32
    %dma_start3A_76 = tpu.memref_slice %arg7[%dma_start3A_75] : memref<10000xi32, #tpu.memory_space<vmem>> -> memref<5120xi32, #tpu.memory_space<vmem>>
    %dma_start3A_77 = arith.constant 0 : i32
    %dma_start3A_78 = tpu.memref_slice %arg2[%dma_start3A_77] : memref<6400000xf32, #tpu.memory_space<hbm>> -> memref<6400000xf32, #tpu.memory_space<hbm>>
    tpu.enqueue_indirect_dma source(%dma_start3A_78 : memref<6400000xf32, #tpu.memory_space<hbm>>) target(%dma_start3A_74 : memref<5120xf32, #tpu.memory_space<vmem>>) offsets(%dma_start3A_76 : memref<5120xi32, #tpu.memory_space<vmem>>) semaphore(%arg19 : memref<!tpu.dma_semaphore, #tpu.memory_space<semaphore_mem>>)
    %dma_start3A_79 = arith.constant 5120 : i32
    %dma_start3A_80 = tpu.memref_slice %arg11[%dma_start3A_79] : memref<10000xf32, #tpu.memory_space<vmem>> -> memref<4880xf32, #tpu.memory_space<vmem>>
    %dma_start3A_81 = arith.constant 5120 : i32
    %dma_start3A_82 = tpu.memref_slice %arg7[%dma_start3A_81] : memref<10000xi32, #tpu.memory_space<vmem>> -> memref<4880xi32, #tpu.memory_space<vmem>>
    %dma_start3A_83 = arith.constant 0 : i32
    %dma_start3A_84 = tpu.memref_slice %arg2[%dma_start3A_83] : memref<6400000xf32, #tpu.memory_space<hbm>> -> memref<6400000xf32, #tpu.memory_space<hbm>>
    tpu.enqueue_indirect_dma source(%dma_start3A_84 : memref<6400000xf32, #tpu.memory_space<hbm>>) target(%dma_start3A_80 : memref<4880xf32, #tpu.memory_space<vmem>>) offsets(%dma_start3A_82 : memref<4880xi32, #tpu.memory_space<vmem>>) semaphore(%arg27 : memref<!tpu.dma_semaphore, #tpu.memory_space<semaphore_mem>>)
    %dma_wait3A_85 = arith.constant 0 : i32
    %dma_wait3A_86 = tpu.memref_slice %arg10[%dma_wait3A_85] : memref<10000xf32, #tpu.memory_space<vmem>> -> memref<5120xf32, #tpu.memory_space<vmem>>
    %dma_wait3A_87 = arith.constant 0 : i32
    %dma_wait3A_88 = tpu.memref_slice %arg6[%dma_wait3A_87] : memref<10000xi32, #tpu.memory_space<vmem>> -> memref<5120xi32, #tpu.memory_space<vmem>>
    %dma_wait3A_89 = arith.constant 0 : i32
    %dma_wait3A_90 = tpu.memref_slice %arg2[%dma_wait3A_89] : memref<6400000xf32, #tpu.memory_space<hbm>> -> memref<6400000xf32, #tpu.memory_space<hbm>>
    tpu.wait_indirect_dma semaphore(%arg18 : memref<!tpu.dma_semaphore, #tpu.memory_space<semaphore_mem>>) src(%dma_wait3A_90 : memref<6400000xf32, #tpu.memory_space<hbm>>) dst(%dma_wait3A_86 : memref<5120xf32, #tpu.memory_space<vmem>>)
    %dma_wait3A_91 = arith.constant 5120 : i32
    %dma_wait3A_92 = tpu.memref_slice %arg10[%dma_wait3A_91] : memref<10000xf32, #tpu.memory_space<vmem>> -> memref<4880xf32, #tpu.memory_space<vmem>>
    %dma_wait3A_93 = arith.constant 5120 : i32
    %dma_wait3A_94 = tpu.memref_slice %arg6[%dma_wait3A_93] : memref<10000xi32, #tpu.memory_space<vmem>> -> memref<4880xi32, #tpu.memory_space<vmem>>
    %dma_wait3A_95 = arith.constant 0 : i32
    %dma_wait3A_96 = tpu.memref_slice %arg2[%dma_wait3A_95] : memref<6400000xf32, #tpu.memory_space<hbm>> -> memref<6400000xf32, #tpu.memory_space<hbm>>
    tpu.wait_indirect_dma semaphore(%arg26 : memref<!tpu.dma_semaphore, #tpu.memory_space<semaphore_mem>>) src(%dma_wait3A_96 : memref<6400000xf32, #tpu.memory_space<hbm>>) dst(%dma_wait3A_92 : memref<4880xf32, #tpu.memory_space<vmem>>)
    %add3A_97 = arith.constant 10000 : i32
    %add3A_98 = arith.addi %mul3A_2, %add3A_97 : i32
    %dma_start3A_99 = tpu.memref_slice %arg4[%add3A_98] : memref<6400000xf32, #tpu.memory_space<hbm>> -> memref<10000xf32, #tpu.memory_space<hbm>>
    %dma_start3A_100 = tpu.memref_slice %arg4[%add3A_98] : memref<6400000xf32, #tpu.memory_space<hbm>> -> memref<10000xf32, #tpu.memory_space<hbm>>
    tpu.enqueue_dma source(%arg10 : memref<10000xf32, #tpu.memory_space<vmem>>) target(%dma_start3A_100 : memref<10000xf32, #tpu.memory_space<hbm>>) target_semaphore(%arg22 : memref<!tpu.dma_semaphore, #tpu.memory_space<semaphore_mem>>)
    %add3A_101 = arith.constant 50000 : i32
    %add3A_102 = arith.addi %mul3A_2, %add3A_101 : i32
    %dma_start3A_103 = tpu.memref_slice %arg3[%add3A_102] : memref<6400000xi32, #tpu.memory_space<hbm>> -> memref<10000xi32, #tpu.memory_space<hbm>>
    %dma_start3A_104 = tpu.memref_slice %arg3[%add3A_102] : memref<6400000xi32, #tpu.memory_space<hbm>> -> memref<10000xi32, #tpu.memory_space<hbm>>
    tpu.enqueue_dma source(%dma_start3A_104 : memref<10000xi32, #tpu.memory_space<hbm>>) target(%arg6 : memref<10000xi32, #tpu.memory_space<vmem>>) target_semaphore(%arg14 : memref<!tpu.dma_semaphore, #tpu.memory_space<semaphore_mem>>)
    %add3A_105 = arith.constant 30000 : i32
    %add3A_106 = arith.addi %mul3A_2, %add3A_105 : i32
    %dma_wait3A_107 = tpu.memref_slice %arg3[%add3A_106] : memref<6400000xi32, #tpu.memory_space<hbm>> -> memref<10000xi32, #tpu.memory_space<hbm>>
    %dma_wait3A_108 = tpu.memref_slice %arg3[%add3A_106] : memref<6400000xi32, #tpu.memory_space<hbm>> -> memref<10000xi32, #tpu.memory_space<hbm>>
    tpu.wait_dma2 semaphore(%arg16 : memref<!tpu.dma_semaphore, #tpu.memory_space<semaphore_mem>>) src(%dma_wait3A_108 : memref<10000xi32, #tpu.memory_space<hbm>>) dst(%arg8 : memref<10000xi32, #tpu.memory_space<vmem>>)
    %dma_start3A_109 = arith.constant 0 : i32
    %dma_start3A_110 = tpu.memref_slice %arg12[%dma_start3A_109] : memref<10000xf32, #tpu.memory_space<vmem>> -> memref<5120xf32, #tpu.memory_space<vmem>>
    %dma_start3A_111 = arith.constant 0 : i32
    %dma_start3A_112 = tpu.memref_slice %arg8[%dma_start3A_111] : memref<10000xi32, #tpu.memory_space<vmem>> -> memref<5120xi32, #tpu.memory_space<vmem>>
    %dma_start3A_113 = arith.constant 0 : i32
    %dma_start3A_114 = tpu.memref_slice %arg2[%dma_start3A_113] : memref<6400000xf32, #tpu.memory_space<hbm>> -> memref<6400000xf32, #tpu.memory_space<hbm>>
    tpu.enqueue_indirect_dma source(%dma_start3A_114 : memref<6400000xf32, #tpu.memory_space<hbm>>) target(%dma_start3A_110 : memref<5120xf32, #tpu.memory_space<vmem>>) offsets(%dma_start3A_112 : memref<5120xi32, #tpu.memory_space<vmem>>) semaphore(%arg20 : memref<!tpu.dma_semaphore, #tpu.memory_space<semaphore_mem>>)
    %dma_start3A_115 = arith.constant 5120 : i32
    %dma_start3A_116 = tpu.memref_slice %arg12[%dma_start3A_115] : memref<10000xf32, #tpu.memory_space<vmem>> -> memref<4880xf32, #tpu.memory_space<vmem>>
    %dma_start3A_117 = arith.constant 5120 : i32
    %dma_start3A_118 = tpu.memref_slice %arg8[%dma_start3A_117] : memref<10000xi32, #tpu.memory_space<vmem>> -> memref<4880xi32, #tpu.memory_space<vmem>>
    %dma_start3A_119 = arith.constant 0 : i32
    %dma_start3A_120 = tpu.memref_slice %arg2[%dma_start3A_119] : memref<6400000xf32, #tpu.memory_space<hbm>> -> memref<6400000xf32, #tpu.memory_space<hbm>>
    tpu.enqueue_indirect_dma source(%dma_start3A_120 : memref<6400000xf32, #tpu.memory_space<hbm>>) target(%dma_start3A_116 : memref<4880xf32, #tpu.memory_space<vmem>>) offsets(%dma_start3A_118 : memref<4880xi32, #tpu.memory_space<vmem>>) semaphore(%arg28 : memref<!tpu.dma_semaphore, #tpu.memory_space<semaphore_mem>>)
    %dma_wait3A_121 = arith.constant 0 : i32
    %dma_wait3A_122 = tpu.memref_slice %arg11[%dma_wait3A_121] : memref<10000xf32, #tpu.memory_space<vmem>> -> memref<5120xf32, #tpu.memory_space<vmem>>
    %dma_wait3A_123 = arith.constant 0 : i32
    %dma_wait3A_124 = tpu.memref_slice %arg7[%dma_wait3A_123] : memref<10000xi32, #tpu.memory_space<vmem>> -> memref<5120xi32, #tpu.memory_space<vmem>>
    %dma_wait3A_125 = arith.constant 0 : i32
    %dma_wait3A_126 = tpu.memref_slice %arg2[%dma_wait3A_125] : memref<6400000xf32, #tpu.memory_space<hbm>> -> memref<6400000xf32, #tpu.memory_space<hbm>>
    tpu.wait_indirect_dma semaphore(%arg19 : memref<!tpu.dma_semaphore, #tpu.memory_space<semaphore_mem>>) src(%dma_wait3A_126 : memref<6400000xf32, #tpu.memory_space<hbm>>) dst(%dma_wait3A_122 : memref<5120xf32, #tpu.memory_space<vmem>>)
    %dma_wait3A_127 = arith.constant 5120 : i32
    %dma_wait3A_128 = tpu.memref_slice %arg11[%dma_wait3A_127] : memref<10000xf32, #tpu.memory_space<vmem>> -> memref<4880xf32, #tpu.memory_space<vmem>>
    %dma_wait3A_129 = arith.constant 5120 : i32
    %dma_wait3A_130 = tpu.memref_slice %arg7[%dma_wait3A_129] : memref<10000xi32, #tpu.memory_space<vmem>> -> memref<4880xi32, #tpu.memory_space<vmem>>
    %dma_wait3A_131 = arith.constant 0 : i32
    %dma_wait3A_132 = tpu.memref_slice %arg2[%dma_wait3A_131] : memref<6400000xf32, #tpu.memory_space<hbm>> -> memref<6400000xf32, #tpu.memory_space<hbm>>
    tpu.wait_indirect_dma semaphore(%arg27 : memref<!tpu.dma_semaphore, #tpu.memory_space<semaphore_mem>>) src(%dma_wait3A_132 : memref<6400000xf32, #tpu.memory_space<hbm>>) dst(%dma_wait3A_128 : memref<4880xf32, #tpu.memory_space<vmem>>)
    %add3A_133 = arith.constant 20000 : i32
    %add3A_134 = arith.addi %mul3A_2, %add3A_133 : i32
    %dma_start3A_135 = tpu.memref_slice %arg4[%add3A_134] : memref<6400000xf32, #tpu.memory_space<hbm>> -> memref<10000xf32, #tpu.memory_space<hbm>>
    %dma_start3A_136 = tpu.memref_slice %arg4[%add3A_134] : memref<6400000xf32, #tpu.memory_space<hbm>> -> memref<10000xf32, #tpu.memory_space<hbm>>
    tpu.enqueue_dma source(%arg11 : memref<10000xf32, #tpu.memory_space<vmem>>) target(%dma_start3A_136 : memref<10000xf32, #tpu.memory_space<hbm>>) target_semaphore(%arg23 : memref<!tpu.dma_semaphore, #tpu.memory_space<semaphore_mem>>)
    %add3A_137 = arith.constant 60000 : i32
    %add3A_138 = arith.addi %mul3A_2, %add3A_137 : i32
    %dma_start3A_139 = tpu.memref_slice %arg3[%add3A_138] : memref<6400000xi32, #tpu.memory_space<hbm>> -> memref<10000xi32, #tpu.memory_space<hbm>>
    %dma_start3A_140 = tpu.memref_slice %arg3[%add3A_138] : memref<6400000xi32, #tpu.memory_space<hbm>> -> memref<10000xi32, #tpu.memory_space<hbm>>
    tpu.enqueue_dma source(%dma_start3A_140 : memref<10000xi32, #tpu.memory_space<hbm>>) target(%arg7 : memref<10000xi32, #tpu.memory_space<vmem>>) target_semaphore(%arg15 : memref<!tpu.dma_semaphore, #tpu.memory_space<semaphore_mem>>)
    %scan3A = arith.constant 0 : i32
    %scan3A_141 = arith.constant 0 : i32
    %scan3A_142 = arith.constant 3 : i32
    %scan3A_143 = arith.addi %scan3A_141, %scan3A_142 : i32
    %scan3A_144 = arith.constant 1 : i32
    scf.for %scan3A_326 = %scan3A_141 to %scan3A_143 step %scan3A_144  : i32 {
      %mul3A_327 = arith.constant 4 : i32
      %mul3A_328 = arith.muli %scan3A_326, %mul3A_327 : i32
      %add3A_329 = arith.constant 4 : i32
      %add3A_330 = arith.addi %add3A_329, %mul3A_328 : i32
      %add3A_331 = arith.constant 0 : i32
      %add3A_332 = arith.addi %add3A_330, %add3A_331 : i32
      %sub3A = arith.constant 4 : i32
      %sub3A_333 = arith.subi %add3A_332, %sub3A : i32
      %mul3A_334 = arith.constant 10000 : i32
      %mul3A_335 = arith.muli %sub3A_333, %mul3A_334 : i32
      %add3A_336 = arith.addi %mul3A_2, %mul3A_335 : i32
      %dma_wait3A_337 = tpu.memref_slice %arg4[%add3A_336] : memref<6400000xf32, #tpu.memory_space<hbm>> -> memref<10000xf32, #tpu.memory_space<hbm>>
      %dma_wait3A_338 = tpu.memref_slice %arg4[%add3A_336] : memref<6400000xf32, #tpu.memory_space<hbm>> -> memref<10000xf32, #tpu.memory_space<hbm>>
      tpu.wait_dma2 semaphore(%arg21 : memref<!tpu.dma_semaphore, #tpu.memory_space<semaphore_mem>>) src(%arg9 : memref<10000xf32, #tpu.memory_space<vmem>>) dst(%dma_wait3A_338 : memref<10000xf32, #tpu.memory_space<hbm>>)
      %mul3A_339 = arith.constant 10000 : i32
      %mul3A_340 = arith.muli %add3A_332, %mul3A_339 : i32
      %add3A_341 = arith.addi %mul3A_2, %mul3A_340 : i32
      %dma_wait3A_342 = tpu.memref_slice %arg3[%add3A_341] : memref<6400000xi32, #tpu.memory_space<hbm>> -> memref<10000xi32, #tpu.memory_space<hbm>>
      %dma_wait3A_343 = tpu.memref_slice %arg3[%add3A_341] : memref<6400000xi32, #tpu.memory_space<hbm>> -> memref<10000xi32, #tpu.memory_space<hbm>>
      tpu.wait_dma2 semaphore(%arg13 : memref<!tpu.dma_semaphore, #tpu.memory_space<semaphore_mem>>) src(%dma_wait3A_343 : memref<10000xi32, #tpu.memory_space<hbm>>) dst(%arg5 : memref<10000xi32, #tpu.memory_space<vmem>>)
      %dma_start3A_344 = arith.constant 0 : i32
      %dma_start3A_345 = tpu.memref_slice %arg9[%dma_start3A_344] : memref<10000xf32, #tpu.memory_space<vmem>> -> memref<5120xf32, #tpu.memory_space<vmem>>
      %dma_start3A_346 = arith.constant 0 : i32
      %dma_start3A_347 = tpu.memref_slice %arg5[%dma_start3A_346] : memref<10000xi32, #tpu.memory_space<vmem>> -> memref<5120xi32, #tpu.memory_space<vmem>>
      %dma_start3A_348 = arith.constant 0 : i32
      %dma_start3A_349 = tpu.memref_slice %arg2[%dma_start3A_348] : memref<6400000xf32, #tpu.memory_space<hbm>> -> memref<6400000xf32, #tpu.memory_space<hbm>>
      tpu.enqueue_indirect_dma source(%dma_start3A_349 : memref<6400000xf32, #tpu.memory_space<hbm>>) target(%dma_start3A_345 : memref<5120xf32, #tpu.memory_space<vmem>>) offsets(%dma_start3A_347 : memref<5120xi32, #tpu.memory_space<vmem>>) semaphore(%arg17 : memref<!tpu.dma_semaphore, #tpu.memory_space<semaphore_mem>>)
      %dma_start3A_350 = arith.constant 5120 : i32
      %dma_start3A_351 = tpu.memref_slice %arg9[%dma_start3A_350] : memref<10000xf32, #tpu.memory_space<vmem>> -> memref<4880xf32, #tpu.memory_space<vmem>>
      %dma_start3A_352 = arith.constant 5120 : i32
      %dma_start3A_353 = tpu.memref_slice %arg5[%dma_start3A_352] : memref<10000xi32, #tpu.memory_space<vmem>> -> memref<4880xi32, #tpu.memory_space<vmem>>
      %dma_start3A_354 = arith.constant 0 : i32
      %dma_start3A_355 = tpu.memref_slice %arg2[%dma_start3A_354] : memref<6400000xf32, #tpu.memory_space<hbm>> -> memref<6400000xf32, #tpu.memory_space<hbm>>
      tpu.enqueue_indirect_dma source(%dma_start3A_355 : memref<6400000xf32, #tpu.memory_space<hbm>>) target(%dma_start3A_351 : memref<4880xf32, #tpu.memory_space<vmem>>) offsets(%dma_start3A_353 : memref<4880xi32, #tpu.memory_space<vmem>>) semaphore(%arg25 : memref<!tpu.dma_semaphore, #tpu.memory_space<semaphore_mem>>)
      %dma_wait3A_356 = arith.constant 0 : i32
      %dma_wait3A_357 = tpu.memref_slice %arg12[%dma_wait3A_356] : memref<10000xf32, #tpu.memory_space<vmem>> -> memref<5120xf32, #tpu.memory_space<vmem>>
      %dma_wait3A_358 = arith.constant 0 : i32
      %dma_wait3A_359 = tpu.memref_slice %arg8[%dma_wait3A_358] : memref<10000xi32, #tpu.memory_space<vmem>> -> memref<5120xi32, #tpu.memory_space<vmem>>
      %dma_wait3A_360 = arith.constant 0 : i32
      %dma_wait3A_361 = tpu.memref_slice %arg2[%dma_wait3A_360] : memref<6400000xf32, #tpu.memory_space<hbm>> -> memref<6400000xf32, #tpu.memory_space<hbm>>
      tpu.wait_indirect_dma semaphore(%arg20 : memref<!tpu.dma_semaphore, #tpu.memory_space<semaphore_mem>>) src(%dma_wait3A_361 : memref<6400000xf32, #tpu.memory_space<hbm>>) dst(%dma_wait3A_357 : memref<5120xf32, #tpu.memory_space<vmem>>)
      %dma_wait3A_362 = arith.constant 5120 : i32
      %dma_wait3A_363 = tpu.memref_slice %arg12[%dma_wait3A_362] : memref<10000xf32, #tpu.memory_space<vmem>> -> memref<4880xf32, #tpu.memory_space<vmem>>
      %dma_wait3A_364 = arith.constant 5120 : i32
      %dma_wait3A_365 = tpu.memref_slice %arg8[%dma_wait3A_364] : memref<10000xi32, #tpu.memory_space<vmem>> -> memref<4880xi32, #tpu.memory_space<vmem>>
      %dma_wait3A_366 = arith.constant 0 : i32
      %dma_wait3A_367 = tpu.memref_slice %arg2[%dma_wait3A_366] : memref<6400000xf32, #tpu.memory_space<hbm>> -> memref<6400000xf32, #tpu.memory_space<hbm>>
      tpu.wait_indirect_dma semaphore(%arg28 : memref<!tpu.dma_semaphore, #tpu.memory_space<semaphore_mem>>) src(%dma_wait3A_367 : memref<6400000xf32, #tpu.memory_space<hbm>>) dst(%dma_wait3A_363 : memref<4880xf32, #tpu.memory_space<vmem>>)
      %sub3A_368 = arith.constant 1 : i32
      %sub3A_369 = arith.subi %add3A_332, %sub3A_368 : i32
      %mul3A_370 = arith.constant 10000 : i32
      %mul3A_371 = arith.muli %sub3A_369, %mul3A_370 : i32
      %add3A_372 = arith.addi %mul3A_2, %mul3A_371 : i32
      %dma_start3A_373 = tpu.memref_slice %arg4[%add3A_372] : memref<6400000xf32, #tpu.memory_space<hbm>> -> memref<10000xf32, #tpu.memory_space<hbm>>
      %dma_start3A_374 = tpu.memref_slice %arg4[%add3A_372] : memref<6400000xf32, #tpu.memory_space<hbm>> -> memref<10000xf32, #tpu.memory_space<hbm>>
      tpu.enqueue_dma source(%arg12 : memref<10000xf32, #tpu.memory_space<vmem>>) target(%dma_start3A_374 : memref<10000xf32, #tpu.memory_space<hbm>>) target_semaphore(%arg24 : memref<!tpu.dma_semaphore, #tpu.memory_space<semaphore_mem>>)
      %add3A_375 = arith.constant 4 : i32
      %add3A_376 = arith.addi %add3A_332, %add3A_375 : i32
      %sub3A_377 = arith.constant 1 : i32
      %sub3A_378 = arith.subi %add3A_376, %sub3A_377 : i32
      %mul3A_379 = arith.constant 10000 : i32
      %mul3A_380 = arith.muli %sub3A_378, %mul3A_379 : i32
      %add3A_381 = arith.addi %mul3A_2, %mul3A_380 : i32
      %dma_start3A_382 = tpu.memref_slice %arg3[%add3A_381] : memref<6400000xi32, #tpu.memory_space<hbm>> -> memref<10000xi32, #tpu.memory_space<hbm>>
      %dma_start3A_383 = tpu.memref_slice %arg3[%add3A_381] : memref<6400000xi32, #tpu.memory_space<hbm>> -> memref<10000xi32, #tpu.memory_space<hbm>>
      tpu.enqueue_dma source(%dma_start3A_383 : memref<10000xi32, #tpu.memory_space<hbm>>) target(%arg8 : memref<10000xi32, #tpu.memory_space<vmem>>) target_semaphore(%arg16 : memref<!tpu.dma_semaphore, #tpu.memory_space<semaphore_mem>>)
      %add3A_384 = arith.constant 1 : i32
      %add3A_385 = arith.addi %add3A_330, %add3A_384 : i32
      %sub3A_386 = arith.constant 4 : i32
      %sub3A_387 = arith.subi %add3A_385, %sub3A_386 : i32
      %mul3A_388 = arith.constant 10000 : i32
      %mul3A_389 = arith.muli %sub3A_387, %mul3A_388 : i32
      %add3A_390 = arith.addi %mul3A_2, %mul3A_389 : i32
      %dma_wait3A_391 = tpu.memref_slice %arg4[%add3A_390] : memref<6400000xf32, #tpu.memory_space<hbm>> -> memref<10000xf32, #tpu.memory_space<hbm>>
      %dma_wait3A_392 = tpu.memref_slice %arg4[%add3A_390] : memref<6400000xf32, #tpu.memory_space<hbm>> -> memref<10000xf32, #tpu.memory_space<hbm>>
      tpu.wait_dma2 semaphore(%arg22 : memref<!tpu.dma_semaphore, #tpu.memory_space<semaphore_mem>>) src(%arg10 : memref<10000xf32, #tpu.memory_space<vmem>>) dst(%dma_wait3A_392 : memref<10000xf32, #tpu.memory_space<hbm>>)
      %mul3A_393 = arith.constant 10000 : i32
      %mul3A_394 = arith.muli %add3A_385, %mul3A_393 : i32
      %add3A_395 = arith.addi %mul3A_2, %mul3A_394 : i32
      %dma_wait3A_396 = tpu.memref_slice %arg3[%add3A_395] : memref<6400000xi32, #tpu.memory_space<hbm>> -> memref<10000xi32, #tpu.memory_space<hbm>>
      %dma_wait3A_397 = tpu.memref_slice %arg3[%add3A_395] : memref<6400000xi32, #tpu.memory_space<hbm>> -> memref<10000xi32, #tpu.memory_space<hbm>>
      tpu.wait_dma2 semaphore(%arg14 : memref<!tpu.dma_semaphore, #tpu.memory_space<semaphore_mem>>) src(%dma_wait3A_397 : memref<10000xi32, #tpu.memory_space<hbm>>) dst(%arg6 : memref<10000xi32, #tpu.memory_space<vmem>>)
      %dma_start3A_398 = arith.constant 0 : i32
      %dma_start3A_399 = tpu.memref_slice %arg10[%dma_start3A_398] : memref<10000xf32, #tpu.memory_space<vmem>> -> memref<5120xf32, #tpu.memory_space<vmem>>
      %dma_start3A_400 = arith.constant 0 : i32
      %dma_start3A_401 = tpu.memref_slice %arg6[%dma_start3A_400] : memref<10000xi32, #tpu.memory_space<vmem>> -> memref<5120xi32, #tpu.memory_space<vmem>>
      %dma_start3A_402 = arith.constant 0 : i32
      %dma_start3A_403 = tpu.memref_slice %arg2[%dma_start3A_402] : memref<6400000xf32, #tpu.memory_space<hbm>> -> memref<6400000xf32, #tpu.memory_space<hbm>>
      tpu.enqueue_indirect_dma source(%dma_start3A_403 : memref<6400000xf32, #tpu.memory_space<hbm>>) target(%dma_start3A_399 : memref<5120xf32, #tpu.memory_space<vmem>>) offsets(%dma_start3A_401 : memref<5120xi32, #tpu.memory_space<vmem>>) semaphore(%arg18 : memref<!tpu.dma_semaphore, #tpu.memory_space<semaphore_mem>>)
      %dma_start3A_404 = arith.constant 5120 : i32
      %dma_start3A_405 = tpu.memref_slice %arg10[%dma_start3A_404] : memref<10000xf32, #tpu.memory_space<vmem>> -> memref<4880xf32, #tpu.memory_space<vmem>>
      %dma_start3A_406 = arith.constant 5120 : i32
      %dma_start3A_407 = tpu.memref_slice %arg6[%dma_start3A_406] : memref<10000xi32, #tpu.memory_space<vmem>> -> memref<4880xi32, #tpu.memory_space<vmem>>
      %dma_start3A_408 = arith.constant 0 : i32
      %dma_start3A_409 = tpu.memref_slice %arg2[%dma_start3A_408] : memref<6400000xf32, #tpu.memory_space<hbm>> -> memref<6400000xf32, #tpu.memory_space<hbm>>
      tpu.enqueue_indirect_dma source(%dma_start3A_409 : memref<6400000xf32, #tpu.memory_space<hbm>>) target(%dma_start3A_405 : memref<4880xf32, #tpu.memory_space<vmem>>) offsets(%dma_start3A_407 : memref<4880xi32, #tpu.memory_space<vmem>>) semaphore(%arg26 : memref<!tpu.dma_semaphore, #tpu.memory_space<semaphore_mem>>)
      %dma_wait3A_410 = arith.constant 0 : i32
      %dma_wait3A_411 = tpu.memref_slice %arg9[%dma_wait3A_410] : memref<10000xf32, #tpu.memory_space<vmem>> -> memref<5120xf32, #tpu.memory_space<vmem>>
      %dma_wait3A_412 = arith.constant 0 : i32
      %dma_wait3A_413 = tpu.memref_slice %arg5[%dma_wait3A_412] : memref<10000xi32, #tpu.memory_space<vmem>> -> memref<5120xi32, #tpu.memory_space<vmem>>
      %dma_wait3A_414 = arith.constant 0 : i32
      %dma_wait3A_415 = tpu.memref_slice %arg2[%dma_wait3A_414] : memref<6400000xf32, #tpu.memory_space<hbm>> -> memref<6400000xf32, #tpu.memory_space<hbm>>
      tpu.wait_indirect_dma semaphore(%arg17 : memref<!tpu.dma_semaphore, #tpu.memory_space<semaphore_mem>>) src(%dma_wait3A_415 : memref<6400000xf32, #tpu.memory_space<hbm>>) dst(%dma_wait3A_411 : memref<5120xf32, #tpu.memory_space<vmem>>)
      %dma_wait3A_416 = arith.constant 5120 : i32
      %dma_wait3A_417 = tpu.memref_slice %arg9[%dma_wait3A_416] : memref<10000xf32, #tpu.memory_space<vmem>> -> memref<4880xf32, #tpu.memory_space<vmem>>
      %dma_wait3A_418 = arith.constant 5120 : i32
      %dma_wait3A_419 = tpu.memref_slice %arg5[%dma_wait3A_418] : memref<10000xi32, #tpu.memory_space<vmem>> -> memref<4880xi32, #tpu.memory_space<vmem>>
      %dma_wait3A_420 = arith.constant 0 : i32
      %dma_wait3A_421 = tpu.memref_slice %arg2[%dma_wait3A_420] : memref<6400000xf32, #tpu.memory_space<hbm>> -> memref<6400000xf32, #tpu.memory_space<hbm>>
      tpu.wait_indirect_dma semaphore(%arg25 : memref<!tpu.dma_semaphore, #tpu.memory_space<semaphore_mem>>) src(%dma_wait3A_421 : memref<6400000xf32, #tpu.memory_space<hbm>>) dst(%dma_wait3A_417 : memref<4880xf32, #tpu.memory_space<vmem>>)
      %sub3A_422 = arith.constant 1 : i32
      %sub3A_423 = arith.subi %add3A_385, %sub3A_422 : i32
      %mul3A_424 = arith.constant 10000 : i32
      %mul3A_425 = arith.muli %sub3A_423, %mul3A_424 : i32
      %add3A_426 = arith.addi %mul3A_2, %mul3A_425 : i32
      %dma_start3A_427 = tpu.memref_slice %arg4[%add3A_426] : memref<6400000xf32, #tpu.memory_space<hbm>> -> memref<10000xf32, #tpu.memory_space<hbm>>
      %dma_start3A_428 = tpu.memref_slice %arg4[%add3A_426] : memref<6400000xf32, #tpu.memory_space<hbm>> -> memref<10000xf32, #tpu.memory_space<hbm>>
      tpu.enqueue_dma source(%arg9 : memref<10000xf32, #tpu.memory_space<vmem>>) target(%dma_start3A_428 : memref<10000xf32, #tpu.memory_space<hbm>>) target_semaphore(%arg21 : memref<!tpu.dma_semaphore, #tpu.memory_space<semaphore_mem>>)
      %add3A_429 = arith.constant 4 : i32
      %add3A_430 = arith.addi %add3A_385, %add3A_429 : i32
      %sub3A_431 = arith.constant 1 : i32
      %sub3A_432 = arith.subi %add3A_430, %sub3A_431 : i32
      %mul3A_433 = arith.constant 10000 : i32
      %mul3A_434 = arith.muli %sub3A_432, %mul3A_433 : i32
      %add3A_435 = arith.addi %mul3A_2, %mul3A_434 : i32
      %dma_start3A_436 = tpu.memref_slice %arg3[%add3A_435] : memref<6400000xi32, #tpu.memory_space<hbm>> -> memref<10000xi32, #tpu.memory_space<hbm>>
      %dma_start3A_437 = tpu.memref_slice %arg3[%add3A_435] : memref<6400000xi32, #tpu.memory_space<hbm>> -> memref<10000xi32, #tpu.memory_space<hbm>>
      tpu.enqueue_dma source(%dma_start3A_437 : memref<10000xi32, #tpu.memory_space<hbm>>) target(%arg5 : memref<10000xi32, #tpu.memory_space<vmem>>) target_semaphore(%arg13 : memref<!tpu.dma_semaphore, #tpu.memory_space<semaphore_mem>>)
      %add3A_438 = arith.constant 2 : i32
      %add3A_439 = arith.addi %add3A_330, %add3A_438 : i32
      %sub3A_440 = arith.constant 4 : i32
      %sub3A_441 = arith.subi %add3A_439, %sub3A_440 : i32
      %mul3A_442 = arith.constant 10000 : i32
      %mul3A_443 = arith.muli %sub3A_441, %mul3A_442 : i32
      %add3A_444 = arith.addi %mul3A_2, %mul3A_443 : i32
      %dma_wait3A_445 = tpu.memref_slice %arg4[%add3A_444] : memref<6400000xf32, #tpu.memory_space<hbm>> -> memref<10000xf32, #tpu.memory_space<hbm>>
      %dma_wait3A_446 = tpu.memref_slice %arg4[%add3A_444] : memref<6400000xf32, #tpu.memory_space<hbm>> -> memref<10000xf32, #tpu.memory_space<hbm>>
      tpu.wait_dma2 semaphore(%arg23 : memref<!tpu.dma_semaphore, #tpu.memory_space<semaphore_mem>>) src(%arg11 : memref<10000xf32, #tpu.memory_space<vmem>>) dst(%dma_wait3A_446 : memref<10000xf32, #tpu.memory_space<hbm>>)
      %mul3A_447 = arith.constant 10000 : i32
      %mul3A_448 = arith.muli %add3A_439, %mul3A_447 : i32
      %add3A_449 = arith.addi %mul3A_2, %mul3A_448 : i32
      %dma_wait3A_450 = tpu.memref_slice %arg3[%add3A_449] : memref<6400000xi32, #tpu.memory_space<hbm>> -> memref<10000xi32, #tpu.memory_space<hbm>>
      %dma_wait3A_451 = tpu.memref_slice %arg3[%add3A_449] : memref<6400000xi32, #tpu.memory_space<hbm>> -> memref<10000xi32, #tpu.memory_space<hbm>>
      tpu.wait_dma2 semaphore(%arg15 : memref<!tpu.dma_semaphore, #tpu.memory_space<semaphore_mem>>) src(%dma_wait3A_451 : memref<10000xi32, #tpu.memory_space<hbm>>) dst(%arg7 : memref<10000xi32, #tpu.memory_space<vmem>>)
      %dma_start3A_452 = arith.constant 0 : i32
      %dma_start3A_453 = tpu.memref_slice %arg11[%dma_start3A_452] : memref<10000xf32, #tpu.memory_space<vmem>> -> memref<5120xf32, #tpu.memory_space<vmem>>
      %dma_start3A_454 = arith.constant 0 : i32
      %dma_start3A_455 = tpu.memref_slice %arg7[%dma_start3A_454] : memref<10000xi32, #tpu.memory_space<vmem>> -> memref<5120xi32, #tpu.memory_space<vmem>>
      %dma_start3A_456 = arith.constant 0 : i32
      %dma_start3A_457 = tpu.memref_slice %arg2[%dma_start3A_456] : memref<6400000xf32, #tpu.memory_space<hbm>> -> memref<6400000xf32, #tpu.memory_space<hbm>>
      tpu.enqueue_indirect_dma source(%dma_start3A_457 : memref<6400000xf32, #tpu.memory_space<hbm>>) target(%dma_start3A_453 : memref<5120xf32, #tpu.memory_space<vmem>>) offsets(%dma_start3A_455 : memref<5120xi32, #tpu.memory_space<vmem>>) semaphore(%arg19 : memref<!tpu.dma_semaphore, #tpu.memory_space<semaphore_mem>>)
      %dma_start3A_458 = arith.constant 5120 : i32
      %dma_start3A_459 = tpu.memref_slice %arg11[%dma_start3A_458] : memref<10000xf32, #tpu.memory_space<vmem>> -> memref<4880xf32, #tpu.memory_space<vmem>>
      %dma_start3A_460 = arith.constant 5120 : i32
      %dma_start3A_461 = tpu.memref_slice %arg7[%dma_start3A_460] : memref<10000xi32, #tpu.memory_space<vmem>> -> memref<4880xi32, #tpu.memory_space<vmem>>
      %dma_start3A_462 = arith.constant 0 : i32
      %dma_start3A_463 = tpu.memref_slice %arg2[%dma_start3A_462] : memref<6400000xf32, #tpu.memory_space<hbm>> -> memref<6400000xf32, #tpu.memory_space<hbm>>
      tpu.enqueue_indirect_dma source(%dma_start3A_463 : memref<6400000xf32, #tpu.memory_space<hbm>>) target(%dma_start3A_459 : memref<4880xf32, #tpu.memory_space<vmem>>) offsets(%dma_start3A_461 : memref<4880xi32, #tpu.memory_space<vmem>>) semaphore(%arg27 : memref<!tpu.dma_semaphore, #tpu.memory_space<semaphore_mem>>)
      %dma_wait3A_464 = arith.constant 0 : i32
      %dma_wait3A_465 = tpu.memref_slice %arg10[%dma_wait3A_464] : memref<10000xf32, #tpu.memory_space<vmem>> -> memref<5120xf32, #tpu.memory_space<vmem>>
      %dma_wait3A_466 = arith.constant 0 : i32
      %dma_wait3A_467 = tpu.memref_slice %arg6[%dma_wait3A_466] : memref<10000xi32, #tpu.memory_space<vmem>> -> memref<5120xi32, #tpu.memory_space<vmem>>
      %dma_wait3A_468 = arith.constant 0 : i32
      %dma_wait3A_469 = tpu.memref_slice %arg2[%dma_wait3A_468] : memref<6400000xf32, #tpu.memory_space<hbm>> -> memref<6400000xf32, #tpu.memory_space<hbm>>
      tpu.wait_indirect_dma semaphore(%arg18 : memref<!tpu.dma_semaphore, #tpu.memory_space<semaphore_mem>>) src(%dma_wait3A_469 : memref<6400000xf32, #tpu.memory_space<hbm>>) dst(%dma_wait3A_465 : memref<5120xf32, #tpu.memory_space<vmem>>)
      %dma_wait3A_470 = arith.constant 5120 : i32
      %dma_wait3A_471 = tpu.memref_slice %arg10[%dma_wait3A_470] : memref<10000xf32, #tpu.memory_space<vmem>> -> memref<4880xf32, #tpu.memory_space<vmem>>
      %dma_wait3A_472 = arith.constant 5120 : i32
      %dma_wait3A_473 = tpu.memref_slice %arg6[%dma_wait3A_472] : memref<10000xi32, #tpu.memory_space<vmem>> -> memref<4880xi32, #tpu.memory_space<vmem>>
      %dma_wait3A_474 = arith.constant 0 : i32
      %dma_wait3A_475 = tpu.memref_slice %arg2[%dma_wait3A_474] : memref<6400000xf32, #tpu.memory_space<hbm>> -> memref<6400000xf32, #tpu.memory_space<hbm>>
      tpu.wait_indirect_dma semaphore(%arg26 : memref<!tpu.dma_semaphore, #tpu.memory_space<semaphore_mem>>) src(%dma_wait3A_475 : memref<6400000xf32, #tpu.memory_space<hbm>>) dst(%dma_wait3A_471 : memref<4880xf32, #tpu.memory_space<vmem>>)
      %sub3A_476 = arith.constant 1 : i32
      %sub3A_477 = arith.subi %add3A_439, %sub3A_476 : i32
      %mul3A_478 = arith.constant 10000 : i32
      %mul3A_479 = arith.muli %sub3A_477, %mul3A_478 : i32
      %add3A_480 = arith.addi %mul3A_2, %mul3A_479 : i32
      %dma_start3A_481 = tpu.memref_slice %arg4[%add3A_480] : memref<6400000xf32, #tpu.memory_space<hbm>> -> memref<10000xf32, #tpu.memory_space<hbm>>
      %dma_start3A_482 = tpu.memref_slice %arg4[%add3A_480] : memref<6400000xf32, #tpu.memory_space<hbm>> -> memref<10000xf32, #tpu.memory_space<hbm>>
      tpu.enqueue_dma source(%arg10 : memref<10000xf32, #tpu.memory_space<vmem>>) target(%dma_start3A_482 : memref<10000xf32, #tpu.memory_space<hbm>>) target_semaphore(%arg22 : memref<!tpu.dma_semaphore, #tpu.memory_space<semaphore_mem>>)
      %add3A_483 = arith.constant 4 : i32
      %add3A_484 = arith.addi %add3A_439, %add3A_483 : i32
      %sub3A_485 = arith.constant 1 : i32
      %sub3A_486 = arith.subi %add3A_484, %sub3A_485 : i32
      %mul3A_487 = arith.constant 10000 : i32
      %mul3A_488 = arith.muli %sub3A_486, %mul3A_487 : i32
      %add3A_489 = arith.addi %mul3A_2, %mul3A_488 : i32
      %dma_start3A_490 = tpu.memref_slice %arg3[%add3A_489] : memref<6400000xi32, #tpu.memory_space<hbm>> -> memref<10000xi32, #tpu.memory_space<hbm>>
      %dma_start3A_491 = tpu.memref_slice %arg3[%add3A_489] : memref<6400000xi32, #tpu.memory_space<hbm>> -> memref<10000xi32, #tpu.memory_space<hbm>>
      tpu.enqueue_dma source(%dma_start3A_491 : memref<10000xi32, #tpu.memory_space<hbm>>) target(%arg6 : memref<10000xi32, #tpu.memory_space<vmem>>) target_semaphore(%arg14 : memref<!tpu.dma_semaphore, #tpu.memory_space<semaphore_mem>>)
      %add3A_492 = arith.constant 3 : i32
      %add3A_493 = arith.addi %add3A_330, %add3A_492 : i32
      %sub3A_494 = arith.constant 4 : i32
      %sub3A_495 = arith.subi %add3A_493, %sub3A_494 : i32
      %mul3A_496 = arith.constant 10000 : i32
      %mul3A_497 = arith.muli %sub3A_495, %mul3A_496 : i32
      %add3A_498 = arith.addi %mul3A_2, %mul3A_497 : i32
      %dma_wait3A_499 = tpu.memref_slice %arg4[%add3A_498] : memref<6400000xf32, #tpu.memory_space<hbm>> -> memref<10000xf32, #tpu.memory_space<hbm>>
      %dma_wait3A_500 = tpu.memref_slice %arg4[%add3A_498] : memref<6400000xf32, #tpu.memory_space<hbm>> -> memref<10000xf32, #tpu.memory_space<hbm>>
      tpu.wait_dma2 semaphore(%arg24 : memref<!tpu.dma_semaphore, #tpu.memory_space<semaphore_mem>>) src(%arg12 : memref<10000xf32, #tpu.memory_space<vmem>>) dst(%dma_wait3A_500 : memref<10000xf32, #tpu.memory_space<hbm>>)
      %mul3A_501 = arith.constant 10000 : i32
      %mul3A_502 = arith.muli %add3A_493, %mul3A_501 : i32
      %add3A_503 = arith.addi %mul3A_2, %mul3A_502 : i32
      %dma_wait3A_504 = tpu.memref_slice %arg3[%add3A_503] : memref<6400000xi32, #tpu.memory_space<hbm>> -> memref<10000xi32, #tpu.memory_space<hbm>>
      %dma_wait3A_505 = tpu.memref_slice %arg3[%add3A_503] : memref<6400000xi32, #tpu.memory_space<hbm>> -> memref<10000xi32, #tpu.memory_space<hbm>>
      tpu.wait_dma2 semaphore(%arg16 : memref<!tpu.dma_semaphore, #tpu.memory_space<semaphore_mem>>) src(%dma_wait3A_505 : memref<10000xi32, #tpu.memory_space<hbm>>) dst(%arg8 : memref<10000xi32, #tpu.memory_space<vmem>>)
      %dma_start3A_506 = arith.constant 0 : i32
      %dma_start3A_507 = tpu.memref_slice %arg12[%dma_start3A_506] : memref<10000xf32, #tpu.memory_space<vmem>> -> memref<5120xf32, #tpu.memory_space<vmem>>
      %dma_start3A_508 = arith.constant 0 : i32
      %dma_start3A_509 = tpu.memref_slice %arg8[%dma_start3A_508] : memref<10000xi32, #tpu.memory_space<vmem>> -> memref<5120xi32, #tpu.memory_space<vmem>>
      %dma_start3A_510 = arith.constant 0 : i32
      %dma_start3A_511 = tpu.memref_slice %arg2[%dma_start3A_510] : memref<6400000xf32, #tpu.memory_space<hbm>> -> memref<6400000xf32, #tpu.memory_space<hbm>>
      tpu.enqueue_indirect_dma source(%dma_start3A_511 : memref<6400000xf32, #tpu.memory_space<hbm>>) target(%dma_start3A_507 : memref<5120xf32, #tpu.memory_space<vmem>>) offsets(%dma_start3A_509 : memref<5120xi32, #tpu.memory_space<vmem>>) semaphore(%arg20 : memref<!tpu.dma_semaphore, #tpu.memory_space<semaphore_mem>>)
      %dma_start3A_512 = arith.constant 5120 : i32
      %dma_start3A_513 = tpu.memref_slice %arg12[%dma_start3A_512] : memref<10000xf32, #tpu.memory_space<vmem>> -> memref<4880xf32, #tpu.memory_space<vmem>>
      %dma_start3A_514 = arith.constant 5120 : i32
      %dma_start3A_515 = tpu.memref_slice %arg8[%dma_start3A_514] : memref<10000xi32, #tpu.memory_space<vmem>> -> memref<4880xi32, #tpu.memory_space<vmem>>
      %dma_start3A_516 = arith.constant 0 : i32
      %dma_start3A_517 = tpu.memref_slice %arg2[%dma_start3A_516] : memref<6400000xf32, #tpu.memory_space<hbm>> -> memref<6400000xf32, #tpu.memory_space<hbm>>
      tpu.enqueue_indirect_dma source(%dma_start3A_517 : memref<6400000xf32, #tpu.memory_space<hbm>>) target(%dma_start3A_513 : memref<4880xf32, #tpu.memory_space<vmem>>) offsets(%dma_start3A_515 : memref<4880xi32, #tpu.memory_space<vmem>>) semaphore(%arg28 : memref<!tpu.dma_semaphore, #tpu.memory_space<semaphore_mem>>)
      %dma_wait3A_518 = arith.constant 0 : i32
      %dma_wait3A_519 = tpu.memref_slice %arg11[%dma_wait3A_518] : memref<10000xf32, #tpu.memory_space<vmem>> -> memref<5120xf32, #tpu.memory_space<vmem>>
      %dma_wait3A_520 = arith.constant 0 : i32
      %dma_wait3A_521 = tpu.memref_slice %arg7[%dma_wait3A_520] : memref<10000xi32, #tpu.memory_space<vmem>> -> memref<5120xi32, #tpu.memory_space<vmem>>
      %dma_wait3A_522 = arith.constant 0 : i32
      %dma_wait3A_523 = tpu.memref_slice %arg2[%dma_wait3A_522] : memref<6400000xf32, #tpu.memory_space<hbm>> -> memref<6400000xf32, #tpu.memory_space<hbm>>
      tpu.wait_indirect_dma semaphore(%arg19 : memref<!tpu.dma_semaphore, #tpu.memory_space<semaphore_mem>>) src(%dma_wait3A_523 : memref<6400000xf32, #tpu.memory_space<hbm>>) dst(%dma_wait3A_519 : memref<5120xf32, #tpu.memory_space<vmem>>)
      %dma_wait3A_524 = arith.constant 5120 : i32
      %dma_wait3A_525 = tpu.memref_slice %arg11[%dma_wait3A_524] : memref<10000xf32, #tpu.memory_space<vmem>> -> memref<4880xf32, #tpu.memory_space<vmem>>
      %dma_wait3A_526 = arith.constant 5120 : i32
      %dma_wait3A_527 = tpu.memref_slice %arg7[%dma_wait3A_526] : memref<10000xi32, #tpu.memory_space<vmem>> -> memref<4880xi32, #tpu.memory_space<vmem>>
      %dma_wait3A_528 = arith.constant 0 : i32
      %dma_wait3A_529 = tpu.memref_slice %arg2[%dma_wait3A_528] : memref<6400000xf32, #tpu.memory_space<hbm>> -> memref<6400000xf32, #tpu.memory_space<hbm>>
      tpu.wait_indirect_dma semaphore(%arg27 : memref<!tpu.dma_semaphore, #tpu.memory_space<semaphore_mem>>) src(%dma_wait3A_529 : memref<6400000xf32, #tpu.memory_space<hbm>>) dst(%dma_wait3A_525 : memref<4880xf32, #tpu.memory_space<vmem>>)
      %sub3A_530 = arith.constant 1 : i32
      %sub3A_531 = arith.subi %add3A_493, %sub3A_530 : i32
      %mul3A_532 = arith.constant 10000 : i32
      %mul3A_533 = arith.muli %sub3A_531, %mul3A_532 : i32
      %add3A_534 = arith.addi %mul3A_2, %mul3A_533 : i32
      %dma_start3A_535 = tpu.memref_slice %arg4[%add3A_534] : memref<6400000xf32, #tpu.memory_space<hbm>> -> memref<10000xf32, #tpu.memory_space<hbm>>
      %dma_start3A_536 = tpu.memref_slice %arg4[%add3A_534] : memref<6400000xf32, #tpu.memory_space<hbm>> -> memref<10000xf32, #tpu.memory_space<hbm>>
      tpu.enqueue_dma source(%arg11 : memref<10000xf32, #tpu.memory_space<vmem>>) target(%dma_start3A_536 : memref<10000xf32, #tpu.memory_space<hbm>>) target_semaphore(%arg23 : memref<!tpu.dma_semaphore, #tpu.memory_space<semaphore_mem>>)
      %add3A_537 = arith.constant 4 : i32
      %add3A_538 = arith.addi %add3A_493, %add3A_537 : i32
      %sub3A_539 = arith.constant 1 : i32
      %sub3A_540 = arith.subi %add3A_538, %sub3A_539 : i32
      %mul3A_541 = arith.constant 10000 : i32
      %mul3A_542 = arith.muli %sub3A_540, %mul3A_541 : i32
      %add3A_543 = arith.addi %mul3A_2, %mul3A_542 : i32
      %dma_start3A_544 = tpu.memref_slice %arg3[%add3A_543] : memref<6400000xi32, #tpu.memory_space<hbm>> -> memref<10000xi32, #tpu.memory_space<hbm>>
      %dma_start3A_545 = tpu.memref_slice %arg3[%add3A_543] : memref<6400000xi32, #tpu.memory_space<hbm>> -> memref<10000xi32, #tpu.memory_space<hbm>>
      tpu.enqueue_dma source(%dma_start3A_545 : memref<10000xi32, #tpu.memory_space<hbm>>) target(%arg7 : memref<10000xi32, #tpu.memory_space<vmem>>) target_semaphore(%arg15 : memref<!tpu.dma_semaphore, #tpu.memory_space<semaphore_mem>>)
    }
    %scan3A_145 = arith.constant 3 : i32
    %add3A_146 = arith.constant 120000 : i32
    %add3A_147 = arith.addi %mul3A_2, %add3A_146 : i32
    %dma_wait3A_148 = tpu.memref_slice %arg4[%add3A_147] : memref<6400000xf32, #tpu.memory_space<hbm>> -> memref<10000xf32, #tpu.memory_space<hbm>>
    %dma_wait3A_149 = tpu.memref_slice %arg4[%add3A_147] : memref<6400000xf32, #tpu.memory_space<hbm>> -> memref<10000xf32, #tpu.memory_space<hbm>>
    tpu.wait_dma2 semaphore(%arg21 : memref<!tpu.dma_semaphore, #tpu.memory_space<semaphore_mem>>) src(%arg9 : memref<10000xf32, #tpu.memory_space<vmem>>) dst(%dma_wait3A_149 : memref<10000xf32, #tpu.memory_space<hbm>>)
    %add3A_150 = arith.constant 160000 : i32
    %add3A_151 = arith.addi %mul3A_2, %add3A_150 : i32
    %dma_wait3A_152 = tpu.memref_slice %arg3[%add3A_151] : memref<6400000xi32, #tpu.memory_space<hbm>> -> memref<10000xi32, #tpu.memory_space<hbm>>
    %dma_wait3A_153 = tpu.memref_slice %arg3[%add3A_151] : memref<6400000xi32, #tpu.memory_space<hbm>> -> memref<10000xi32, #tpu.memory_space<hbm>>
    tpu.wait_dma2 semaphore(%arg13 : memref<!tpu.dma_semaphore, #tpu.memory_space<semaphore_mem>>) src(%dma_wait3A_153 : memref<10000xi32, #tpu.memory_space<hbm>>) dst(%arg5 : memref<10000xi32, #tpu.memory_space<vmem>>)
    %dma_start3A_154 = arith.constant 0 : i32
    %dma_start3A_155 = tpu.memref_slice %arg9[%dma_start3A_154] : memref<10000xf32, #tpu.memory_space<vmem>> -> memref<5120xf32, #tpu.memory_space<vmem>>
    %dma_start3A_156 = arith.constant 0 : i32
    %dma_start3A_157 = tpu.memref_slice %arg5[%dma_start3A_156] : memref<10000xi32, #tpu.memory_space<vmem>> -> memref<5120xi32, #tpu.memory_space<vmem>>
    %dma_start3A_158 = arith.constant 0 : i32
    %dma_start3A_159 = tpu.memref_slice %arg2[%dma_start3A_158] : memref<6400000xf32, #tpu.memory_space<hbm>> -> memref<6400000xf32, #tpu.memory_space<hbm>>
    tpu.enqueue_indirect_dma source(%dma_start3A_159 : memref<6400000xf32, #tpu.memory_space<hbm>>) target(%dma_start3A_155 : memref<5120xf32, #tpu.memory_space<vmem>>) offsets(%dma_start3A_157 : memref<5120xi32, #tpu.memory_space<vmem>>) semaphore(%arg17 : memref<!tpu.dma_semaphore, #tpu.memory_space<semaphore_mem>>)
    %dma_start3A_160 = arith.constant 5120 : i32
    %dma_start3A_161 = tpu.memref_slice %arg9[%dma_start3A_160] : memref<10000xf32, #tpu.memory_space<vmem>> -> memref<4880xf32, #tpu.memory_space<vmem>>
    %dma_start3A_162 = arith.constant 5120 : i32
    %dma_start3A_163 = tpu.memref_slice %arg5[%dma_start3A_162] : memref<10000xi32, #tpu.memory_space<vmem>> -> memref<4880xi32, #tpu.memory_space<vmem>>
    %dma_start3A_164 = arith.constant 0 : i32
    %dma_start3A_165 = tpu.memref_slice %arg2[%dma_start3A_164] : memref<6400000xf32, #tpu.memory_space<hbm>> -> memref<6400000xf32, #tpu.memory_space<hbm>>
    tpu.enqueue_indirect_dma source(%dma_start3A_165 : memref<6400000xf32, #tpu.memory_space<hbm>>) target(%dma_start3A_161 : memref<4880xf32, #tpu.memory_space<vmem>>) offsets(%dma_start3A_163 : memref<4880xi32, #tpu.memory_space<vmem>>) semaphore(%arg25 : memref<!tpu.dma_semaphore, #tpu.memory_space<semaphore_mem>>)
    %dma_wait3A_166 = arith.constant 0 : i32
    %dma_wait3A_167 = tpu.memref_slice %arg12[%dma_wait3A_166] : memref<10000xf32, #tpu.memory_space<vmem>> -> memref<5120xf32, #tpu.memory_space<vmem>>
    %dma_wait3A_168 = arith.constant 0 : i32
    %dma_wait3A_169 = tpu.memref_slice %arg8[%dma_wait3A_168] : memref<10000xi32, #tpu.memory_space<vmem>> -> memref<5120xi32, #tpu.memory_space<vmem>>
    %dma_wait3A_170 = arith.constant 0 : i32
    %dma_wait3A_171 = tpu.memref_slice %arg2[%dma_wait3A_170] : memref<6400000xf32, #tpu.memory_space<hbm>> -> memref<6400000xf32, #tpu.memory_space<hbm>>
    tpu.wait_indirect_dma semaphore(%arg20 : memref<!tpu.dma_semaphore, #tpu.memory_space<semaphore_mem>>) src(%dma_wait3A_171 : memref<6400000xf32, #tpu.memory_space<hbm>>) dst(%dma_wait3A_167 : memref<5120xf32, #tpu.memory_space<vmem>>)
    %dma_wait3A_172 = arith.constant 5120 : i32
    %dma_wait3A_173 = tpu.memref_slice %arg12[%dma_wait3A_172] : memref<10000xf32, #tpu.memory_space<vmem>> -> memref<4880xf32, #tpu.memory_space<vmem>>
    %dma_wait3A_174 = arith.constant 5120 : i32
    %dma_wait3A_175 = tpu.memref_slice %arg8[%dma_wait3A_174] : memref<10000xi32, #tpu.memory_space<vmem>> -> memref<4880xi32, #tpu.memory_space<vmem>>
    %dma_wait3A_176 = arith.constant 0 : i32
    %dma_wait3A_177 = tpu.memref_slice %arg2[%dma_wait3A_176] : memref<6400000xf32, #tpu.memory_space<hbm>> -> memref<6400000xf32, #tpu.memory_space<hbm>>
    tpu.wait_indirect_dma semaphore(%arg28 : memref<!tpu.dma_semaphore, #tpu.memory_space<semaphore_mem>>) src(%dma_wait3A_177 : memref<6400000xf32, #tpu.memory_space<hbm>>) dst(%dma_wait3A_173 : memref<4880xf32, #tpu.memory_space<vmem>>)
    %add3A_178 = arith.constant 150000 : i32
    %add3A_179 = arith.addi %mul3A_2, %add3A_178 : i32
    %dma_start3A_180 = tpu.memref_slice %arg4[%add3A_179] : memref<6400000xf32, #tpu.memory_space<hbm>> -> memref<10000xf32, #tpu.memory_space<hbm>>
    %dma_start3A_181 = tpu.memref_slice %arg4[%add3A_179] : memref<6400000xf32, #tpu.memory_space<hbm>> -> memref<10000xf32, #tpu.memory_space<hbm>>
    tpu.enqueue_dma source(%arg12 : memref<10000xf32, #tpu.memory_space<vmem>>) target(%dma_start3A_181 : memref<10000xf32, #tpu.memory_space<hbm>>) target_semaphore(%arg24 : memref<!tpu.dma_semaphore, #tpu.memory_space<semaphore_mem>>)
    %add3A_182 = arith.constant 190000 : i32
    %add3A_183 = arith.addi %mul3A_2, %add3A_182 : i32
    %dma_start3A_184 = tpu.memref_slice %arg3[%add3A_183] : memref<6400000xi32, #tpu.memory_space<hbm>> -> memref<10000xi32, #tpu.memory_space<hbm>>
    %dma_start3A_185 = tpu.memref_slice %arg3[%add3A_183] : memref<6400000xi32, #tpu.memory_space<hbm>> -> memref<10000xi32, #tpu.memory_space<hbm>>
    tpu.enqueue_dma source(%dma_start3A_185 : memref<10000xi32, #tpu.memory_space<hbm>>) target(%arg8 : memref<10000xi32, #tpu.memory_space<vmem>>) target_semaphore(%arg16 : memref<!tpu.dma_semaphore, #tpu.memory_space<semaphore_mem>>)
    %add3A_186 = arith.constant 130000 : i32
    %add3A_187 = arith.addi %mul3A_2, %add3A_186 : i32
    %dma_wait3A_188 = tpu.memref_slice %arg4[%add3A_187] : memref<6400000xf32, #tpu.memory_space<hbm>> -> memref<10000xf32, #tpu.memory_space<hbm>>
    %dma_wait3A_189 = tpu.memref_slice %arg4[%add3A_187] : memref<6400000xf32, #tpu.memory_space<hbm>> -> memref<10000xf32, #tpu.memory_space<hbm>>
    tpu.wait_dma2 semaphore(%arg22 : memref<!tpu.dma_semaphore, #tpu.memory_space<semaphore_mem>>) src(%arg10 : memref<10000xf32, #tpu.memory_space<vmem>>) dst(%dma_wait3A_189 : memref<10000xf32, #tpu.memory_space<hbm>>)
    %add3A_190 = arith.constant 170000 : i32
    %add3A_191 = arith.addi %mul3A_2, %add3A_190 : i32
    %dma_wait3A_192 = tpu.memref_slice %arg3[%add3A_191] : memref<6400000xi32, #tpu.memory_space<hbm>> -> memref<10000xi32, #tpu.memory_space<hbm>>
    %dma_wait3A_193 = tpu.memref_slice %arg3[%add3A_191] : memref<6400000xi32, #tpu.memory_space<hbm>> -> memref<10000xi32, #tpu.memory_space<hbm>>
    tpu.wait_dma2 semaphore(%arg14 : memref<!tpu.dma_semaphore, #tpu.memory_space<semaphore_mem>>) src(%dma_wait3A_193 : memref<10000xi32, #tpu.memory_space<hbm>>) dst(%arg6 : memref<10000xi32, #tpu.memory_space<vmem>>)
    %dma_start3A_194 = arith.constant 0 : i32
    %dma_start3A_195 = tpu.memref_slice %arg10[%dma_start3A_194] : memref<10000xf32, #tpu.memory_space<vmem>> -> memref<5120xf32, #tpu.memory_space<vmem>>
    %dma_start3A_196 = arith.constant 0 : i32
    %dma_start3A_197 = tpu.memref_slice %arg6[%dma_start3A_196] : memref<10000xi32, #tpu.memory_space<vmem>> -> memref<5120xi32, #tpu.memory_space<vmem>>
    %dma_start3A_198 = arith.constant 0 : i32
    %dma_start3A_199 = tpu.memref_slice %arg2[%dma_start3A_198] : memref<6400000xf32, #tpu.memory_space<hbm>> -> memref<6400000xf32, #tpu.memory_space<hbm>>
    tpu.enqueue_indirect_dma source(%dma_start3A_199 : memref<6400000xf32, #tpu.memory_space<hbm>>) target(%dma_start3A_195 : memref<5120xf32, #tpu.memory_space<vmem>>) offsets(%dma_start3A_197 : memref<5120xi32, #tpu.memory_space<vmem>>) semaphore(%arg18 : memref<!tpu.dma_semaphore, #tpu.memory_space<semaphore_mem>>)
    %dma_start3A_200 = arith.constant 5120 : i32
    %dma_start3A_201 = tpu.memref_slice %arg10[%dma_start3A_200] : memref<10000xf32, #tpu.memory_space<vmem>> -> memref<4880xf32, #tpu.memory_space<vmem>>
    %dma_start3A_202 = arith.constant 5120 : i32
    %dma_start3A_203 = tpu.memref_slice %arg6[%dma_start3A_202] : memref<10000xi32, #tpu.memory_space<vmem>> -> memref<4880xi32, #tpu.memory_space<vmem>>
    %dma_start3A_204 = arith.constant 0 : i32
    %dma_start3A_205 = tpu.memref_slice %arg2[%dma_start3A_204] : memref<6400000xf32, #tpu.memory_space<hbm>> -> memref<6400000xf32, #tpu.memory_space<hbm>>
    tpu.enqueue_indirect_dma source(%dma_start3A_205 : memref<6400000xf32, #tpu.memory_space<hbm>>) target(%dma_start3A_201 : memref<4880xf32, #tpu.memory_space<vmem>>) offsets(%dma_start3A_203 : memref<4880xi32, #tpu.memory_space<vmem>>) semaphore(%arg26 : memref<!tpu.dma_semaphore, #tpu.memory_space<semaphore_mem>>)
    %dma_wait3A_206 = arith.constant 0 : i32
    %dma_wait3A_207 = tpu.memref_slice %arg9[%dma_wait3A_206] : memref<10000xf32, #tpu.memory_space<vmem>> -> memref<5120xf32, #tpu.memory_space<vmem>>
    %dma_wait3A_208 = arith.constant 0 : i32
    %dma_wait3A_209 = tpu.memref_slice %arg5[%dma_wait3A_208] : memref<10000xi32, #tpu.memory_space<vmem>> -> memref<5120xi32, #tpu.memory_space<vmem>>
    %dma_wait3A_210 = arith.constant 0 : i32
    %dma_wait3A_211 = tpu.memref_slice %arg2[%dma_wait3A_210] : memref<6400000xf32, #tpu.memory_space<hbm>> -> memref<6400000xf32, #tpu.memory_space<hbm>>
    tpu.wait_indirect_dma semaphore(%arg17 : memref<!tpu.dma_semaphore, #tpu.memory_space<semaphore_mem>>) src(%dma_wait3A_211 : memref<6400000xf32, #tpu.memory_space<hbm>>) dst(%dma_wait3A_207 : memref<5120xf32, #tpu.memory_space<vmem>>)
    %dma_wait3A_212 = arith.constant 5120 : i32
    %dma_wait3A_213 = tpu.memref_slice %arg9[%dma_wait3A_212] : memref<10000xf32, #tpu.memory_space<vmem>> -> memref<4880xf32, #tpu.memory_space<vmem>>
    %dma_wait3A_214 = arith.constant 5120 : i32
    %dma_wait3A_215 = tpu.memref_slice %arg5[%dma_wait3A_214] : memref<10000xi32, #tpu.memory_space<vmem>> -> memref<4880xi32, #tpu.memory_space<vmem>>
    %dma_wait3A_216 = arith.constant 0 : i32
    %dma_wait3A_217 = tpu.memref_slice %arg2[%dma_wait3A_216] : memref<6400000xf32, #tpu.memory_space<hbm>> -> memref<6400000xf32, #tpu.memory_space<hbm>>
    tpu.wait_indirect_dma semaphore(%arg25 : memref<!tpu.dma_semaphore, #tpu.memory_space<semaphore_mem>>) src(%dma_wait3A_217 : memref<6400000xf32, #tpu.memory_space<hbm>>) dst(%dma_wait3A_213 : memref<4880xf32, #tpu.memory_space<vmem>>)
    %add3A_218 = arith.constant 160000 : i32
    %add3A_219 = arith.addi %mul3A_2, %add3A_218 : i32
    %dma_start3A_220 = tpu.memref_slice %arg4[%add3A_219] : memref<6400000xf32, #tpu.memory_space<hbm>> -> memref<10000xf32, #tpu.memory_space<hbm>>
    %dma_start3A_221 = tpu.memref_slice %arg4[%add3A_219] : memref<6400000xf32, #tpu.memory_space<hbm>> -> memref<10000xf32, #tpu.memory_space<hbm>>
    tpu.enqueue_dma source(%arg9 : memref<10000xf32, #tpu.memory_space<vmem>>) target(%dma_start3A_221 : memref<10000xf32, #tpu.memory_space<hbm>>) target_semaphore(%arg21 : memref<!tpu.dma_semaphore, #tpu.memory_space<semaphore_mem>>)
    %add3A_222 = arith.constant 140000 : i32
    %add3A_223 = arith.addi %mul3A_2, %add3A_222 : i32
    %dma_wait3A_224 = tpu.memref_slice %arg4[%add3A_223] : memref<6400000xf32, #tpu.memory_space<hbm>> -> memref<10000xf32, #tpu.memory_space<hbm>>
    %dma_wait3A_225 = tpu.memref_slice %arg4[%add3A_223] : memref<6400000xf32, #tpu.memory_space<hbm>> -> memref<10000xf32, #tpu.memory_space<hbm>>
    tpu.wait_dma2 semaphore(%arg23 : memref<!tpu.dma_semaphore, #tpu.memory_space<semaphore_mem>>) src(%arg11 : memref<10000xf32, #tpu.memory_space<vmem>>) dst(%dma_wait3A_225 : memref<10000xf32, #tpu.memory_space<hbm>>)
    %add3A_226 = arith.constant 180000 : i32
    %add3A_227 = arith.addi %mul3A_2, %add3A_226 : i32
    %dma_wait3A_228 = tpu.memref_slice %arg3[%add3A_227] : memref<6400000xi32, #tpu.memory_space<hbm>> -> memref<10000xi32, #tpu.memory_space<hbm>>
    %dma_wait3A_229 = tpu.memref_slice %arg3[%add3A_227] : memref<6400000xi32, #tpu.memory_space<hbm>> -> memref<10000xi32, #tpu.memory_space<hbm>>
    tpu.wait_dma2 semaphore(%arg15 : memref<!tpu.dma_semaphore, #tpu.memory_space<semaphore_mem>>) src(%dma_wait3A_229 : memref<10000xi32, #tpu.memory_space<hbm>>) dst(%arg7 : memref<10000xi32, #tpu.memory_space<vmem>>)
    %dma_start3A_230 = arith.constant 0 : i32
    %dma_start3A_231 = tpu.memref_slice %arg11[%dma_start3A_230] : memref<10000xf32, #tpu.memory_space<vmem>> -> memref<5120xf32, #tpu.memory_space<vmem>>
    %dma_start3A_232 = arith.constant 0 : i32
    %dma_start3A_233 = tpu.memref_slice %arg7[%dma_start3A_232] : memref<10000xi32, #tpu.memory_space<vmem>> -> memref<5120xi32, #tpu.memory_space<vmem>>
    %dma_start3A_234 = arith.constant 0 : i32
    %dma_start3A_235 = tpu.memref_slice %arg2[%dma_start3A_234] : memref<6400000xf32, #tpu.memory_space<hbm>> -> memref<6400000xf32, #tpu.memory_space<hbm>>
    tpu.enqueue_indirect_dma source(%dma_start3A_235 : memref<6400000xf32, #tpu.memory_space<hbm>>) target(%dma_start3A_231 : memref<5120xf32, #tpu.memory_space<vmem>>) offsets(%dma_start3A_233 : memref<5120xi32, #tpu.memory_space<vmem>>) semaphore(%arg19 : memref<!tpu.dma_semaphore, #tpu.memory_space<semaphore_mem>>)
    %dma_start3A_236 = arith.constant 5120 : i32
    %dma_start3A_237 = tpu.memref_slice %arg11[%dma_start3A_236] : memref<10000xf32, #tpu.memory_space<vmem>> -> memref<4880xf32, #tpu.memory_space<vmem>>
    %dma_start3A_238 = arith.constant 5120 : i32
    %dma_start3A_239 = tpu.memref_slice %arg7[%dma_start3A_238] : memref<10000xi32, #tpu.memory_space<vmem>> -> memref<4880xi32, #tpu.memory_space<vmem>>
    %dma_start3A_240 = arith.constant 0 : i32
    %dma_start3A_241 = tpu.memref_slice %arg2[%dma_start3A_240] : memref<6400000xf32, #tpu.memory_space<hbm>> -> memref<6400000xf32, #tpu.memory_space<hbm>>
    tpu.enqueue_indirect_dma source(%dma_start3A_241 : memref<6400000xf32, #tpu.memory_space<hbm>>) target(%dma_start3A_237 : memref<4880xf32, #tpu.memory_space<vmem>>) offsets(%dma_start3A_239 : memref<4880xi32, #tpu.memory_space<vmem>>) semaphore(%arg27 : memref<!tpu.dma_semaphore, #tpu.memory_space<semaphore_mem>>)
    %dma_wait3A_242 = arith.constant 0 : i32
    %dma_wait3A_243 = tpu.memref_slice %arg10[%dma_wait3A_242] : memref<10000xf32, #tpu.memory_space<vmem>> -> memref<5120xf32, #tpu.memory_space<vmem>>
    %dma_wait3A_244 = arith.constant 0 : i32
    %dma_wait3A_245 = tpu.memref_slice %arg6[%dma_wait3A_244] : memref<10000xi32, #tpu.memory_space<vmem>> -> memref<5120xi32, #tpu.memory_space<vmem>>
    %dma_wait3A_246 = arith.constant 0 : i32
    %dma_wait3A_247 = tpu.memref_slice %arg2[%dma_wait3A_246] : memref<6400000xf32, #tpu.memory_space<hbm>> -> memref<6400000xf32, #tpu.memory_space<hbm>>
    tpu.wait_indirect_dma semaphore(%arg18 : memref<!tpu.dma_semaphore, #tpu.memory_space<semaphore_mem>>) src(%dma_wait3A_247 : memref<6400000xf32, #tpu.memory_space<hbm>>) dst(%dma_wait3A_243 : memref<5120xf32, #tpu.memory_space<vmem>>)
    %dma_wait3A_248 = arith.constant 5120 : i32
    %dma_wait3A_249 = tpu.memref_slice %arg10[%dma_wait3A_248] : memref<10000xf32, #tpu.memory_space<vmem>> -> memref<4880xf32, #tpu.memory_space<vmem>>
    %dma_wait3A_250 = arith.constant 5120 : i32
    %dma_wait3A_251 = tpu.memref_slice %arg6[%dma_wait3A_250] : memref<10000xi32, #tpu.memory_space<vmem>> -> memref<4880xi32, #tpu.memory_space<vmem>>
    %dma_wait3A_252 = arith.constant 0 : i32
    %dma_wait3A_253 = tpu.memref_slice %arg2[%dma_wait3A_252] : memref<6400000xf32, #tpu.memory_space<hbm>> -> memref<6400000xf32, #tpu.memory_space<hbm>>
    tpu.wait_indirect_dma semaphore(%arg26 : memref<!tpu.dma_semaphore, #tpu.memory_space<semaphore_mem>>) src(%dma_wait3A_253 : memref<6400000xf32, #tpu.memory_space<hbm>>) dst(%dma_wait3A_249 : memref<4880xf32, #tpu.memory_space<vmem>>)
    %add3A_254 = arith.constant 170000 : i32
    %add3A_255 = arith.addi %mul3A_2, %add3A_254 : i32
    %dma_start3A_256 = tpu.memref_slice %arg4[%add3A_255] : memref<6400000xf32, #tpu.memory_space<hbm>> -> memref<10000xf32, #tpu.memory_space<hbm>>
    %dma_start3A_257 = tpu.memref_slice %arg4[%add3A_255] : memref<6400000xf32, #tpu.memory_space<hbm>> -> memref<10000xf32, #tpu.memory_space<hbm>>
    tpu.enqueue_dma source(%arg10 : memref<10000xf32, #tpu.memory_space<vmem>>) target(%dma_start3A_257 : memref<10000xf32, #tpu.memory_space<hbm>>) target_semaphore(%arg22 : memref<!tpu.dma_semaphore, #tpu.memory_space<semaphore_mem>>)
    %add3A_258 = arith.constant 150000 : i32
    %add3A_259 = arith.addi %mul3A_2, %add3A_258 : i32
    %dma_wait3A_260 = tpu.memref_slice %arg4[%add3A_259] : memref<6400000xf32, #tpu.memory_space<hbm>> -> memref<10000xf32, #tpu.memory_space<hbm>>
    %dma_wait3A_261 = tpu.memref_slice %arg4[%add3A_259] : memref<6400000xf32, #tpu.memory_space<hbm>> -> memref<10000xf32, #tpu.memory_space<hbm>>
    tpu.wait_dma2 semaphore(%arg24 : memref<!tpu.dma_semaphore, #tpu.memory_space<semaphore_mem>>) src(%arg12 : memref<10000xf32, #tpu.memory_space<vmem>>) dst(%dma_wait3A_261 : memref<10000xf32, #tpu.memory_space<hbm>>)
    %add3A_262 = arith.constant 190000 : i32
    %add3A_263 = arith.addi %mul3A_2, %add3A_262 : i32
    %dma_wait3A_264 = tpu.memref_slice %arg3[%add3A_263] : memref<6400000xi32, #tpu.memory_space<hbm>> -> memref<10000xi32, #tpu.memory_space<hbm>>
    %dma_wait3A_265 = tpu.memref_slice %arg3[%add3A_263] : memref<6400000xi32, #tpu.memory_space<hbm>> -> memref<10000xi32, #tpu.memory_space<hbm>>
    tpu.wait_dma2 semaphore(%arg16 : memref<!tpu.dma_semaphore, #tpu.memory_space<semaphore_mem>>) src(%dma_wait3A_265 : memref<10000xi32, #tpu.memory_space<hbm>>) dst(%arg8 : memref<10000xi32, #tpu.memory_space<vmem>>)
    %dma_start3A_266 = arith.constant 0 : i32
    %dma_start3A_267 = tpu.memref_slice %arg12[%dma_start3A_266] : memref<10000xf32, #tpu.memory_space<vmem>> -> memref<5120xf32, #tpu.memory_space<vmem>>
    %dma_start3A_268 = arith.constant 0 : i32
    %dma_start3A_269 = tpu.memref_slice %arg8[%dma_start3A_268] : memref<10000xi32, #tpu.memory_space<vmem>> -> memref<5120xi32, #tpu.memory_space<vmem>>
    %dma_start3A_270 = arith.constant 0 : i32
    %dma_start3A_271 = tpu.memref_slice %arg2[%dma_start3A_270] : memref<6400000xf32, #tpu.memory_space<hbm>> -> memref<6400000xf32, #tpu.memory_space<hbm>>
    tpu.enqueue_indirect_dma source(%dma_start3A_271 : memref<6400000xf32, #tpu.memory_space<hbm>>) target(%dma_start3A_267 : memref<5120xf32, #tpu.memory_space<vmem>>) offsets(%dma_start3A_269 : memref<5120xi32, #tpu.memory_space<vmem>>) semaphore(%arg20 : memref<!tpu.dma_semaphore, #tpu.memory_space<semaphore_mem>>)
    %dma_start3A_272 = arith.constant 5120 : i32
    %dma_start3A_273 = tpu.memref_slice %arg12[%dma_start3A_272] : memref<10000xf32, #tpu.memory_space<vmem>> -> memref<4880xf32, #tpu.memory_space<vmem>>
    %dma_start3A_274 = arith.constant 5120 : i32
    %dma_start3A_275 = tpu.memref_slice %arg8[%dma_start3A_274] : memref<10000xi32, #tpu.memory_space<vmem>> -> memref<4880xi32, #tpu.memory_space<vmem>>
    %dma_start3A_276 = arith.constant 0 : i32
    %dma_start3A_277 = tpu.memref_slice %arg2[%dma_start3A_276] : memref<6400000xf32, #tpu.memory_space<hbm>> -> memref<6400000xf32, #tpu.memory_space<hbm>>
    tpu.enqueue_indirect_dma source(%dma_start3A_277 : memref<6400000xf32, #tpu.memory_space<hbm>>) target(%dma_start3A_273 : memref<4880xf32, #tpu.memory_space<vmem>>) offsets(%dma_start3A_275 : memref<4880xi32, #tpu.memory_space<vmem>>) semaphore(%arg28 : memref<!tpu.dma_semaphore, #tpu.memory_space<semaphore_mem>>)
    %dma_wait3A_278 = arith.constant 0 : i32
    %dma_wait3A_279 = tpu.memref_slice %arg11[%dma_wait3A_278] : memref<10000xf32, #tpu.memory_space<vmem>> -> memref<5120xf32, #tpu.memory_space<vmem>>
    %dma_wait3A_280 = arith.constant 0 : i32
    %dma_wait3A_281 = tpu.memref_slice %arg7[%dma_wait3A_280] : memref<10000xi32, #tpu.memory_space<vmem>> -> memref<5120xi32, #tpu.memory_space<vmem>>
    %dma_wait3A_282 = arith.constant 0 : i32
    %dma_wait3A_283 = tpu.memref_slice %arg2[%dma_wait3A_282] : memref<6400000xf32, #tpu.memory_space<hbm>> -> memref<6400000xf32, #tpu.memory_space<hbm>>
    tpu.wait_indirect_dma semaphore(%arg19 : memref<!tpu.dma_semaphore, #tpu.memory_space<semaphore_mem>>) src(%dma_wait3A_283 : memref<6400000xf32, #tpu.memory_space<hbm>>) dst(%dma_wait3A_279 : memref<5120xf32, #tpu.memory_space<vmem>>)
    %dma_wait3A_284 = arith.constant 5120 : i32
    %dma_wait3A_285 = tpu.memref_slice %arg11[%dma_wait3A_284] : memref<10000xf32, #tpu.memory_space<vmem>> -> memref<4880xf32, #tpu.memory_space<vmem>>
    %dma_wait3A_286 = arith.constant 5120 : i32
    %dma_wait3A_287 = tpu.memref_slice %arg7[%dma_wait3A_286] : memref<10000xi32, #tpu.memory_space<vmem>> -> memref<4880xi32, #tpu.memory_space<vmem>>
    %dma_wait3A_288 = arith.constant 0 : i32
    %dma_wait3A_289 = tpu.memref_slice %arg2[%dma_wait3A_288] : memref<6400000xf32, #tpu.memory_space<hbm>> -> memref<6400000xf32, #tpu.memory_space<hbm>>
    tpu.wait_indirect_dma semaphore(%arg27 : memref<!tpu.dma_semaphore, #tpu.memory_space<semaphore_mem>>) src(%dma_wait3A_289 : memref<6400000xf32, #tpu.memory_space<hbm>>) dst(%dma_wait3A_285 : memref<4880xf32, #tpu.memory_space<vmem>>)
    %add3A_290 = arith.constant 180000 : i32
    %add3A_291 = arith.addi %mul3A_2, %add3A_290 : i32
    %dma_start3A_292 = tpu.memref_slice %arg4[%add3A_291] : memref<6400000xf32, #tpu.memory_space<hbm>> -> memref<10000xf32, #tpu.memory_space<hbm>>
    %dma_start3A_293 = tpu.memref_slice %arg4[%add3A_291] : memref<6400000xf32, #tpu.memory_space<hbm>> -> memref<10000xf32, #tpu.memory_space<hbm>>
    tpu.enqueue_dma source(%arg11 : memref<10000xf32, #tpu.memory_space<vmem>>) target(%dma_start3A_293 : memref<10000xf32, #tpu.memory_space<hbm>>) target_semaphore(%arg23 : memref<!tpu.dma_semaphore, #tpu.memory_space<semaphore_mem>>)
    %dma_wait3A_294 = arith.constant 0 : i32
    %dma_wait3A_295 = tpu.memref_slice %arg12[%dma_wait3A_294] : memref<10000xf32, #tpu.memory_space<vmem>> -> memref<5120xf32, #tpu.memory_space<vmem>>
    %dma_wait3A_296 = arith.constant 0 : i32
    %dma_wait3A_297 = tpu.memref_slice %arg8[%dma_wait3A_296] : memref<10000xi32, #tpu.memory_space<vmem>> -> memref<5120xi32, #tpu.memory_space<vmem>>
    %dma_wait3A_298 = arith.constant 0 : i32
    %dma_wait3A_299 = tpu.memref_slice %arg2[%dma_wait3A_298] : memref<6400000xf32, #tpu.memory_space<hbm>> -> memref<6400000xf32, #tpu.memory_space<hbm>>
    tpu.wait_indirect_dma semaphore(%arg20 : memref<!tpu.dma_semaphore, #tpu.memory_space<semaphore_mem>>) src(%dma_wait3A_299 : memref<6400000xf32, #tpu.memory_space<hbm>>) dst(%dma_wait3A_295 : memref<5120xf32, #tpu.memory_space<vmem>>)
    %dma_wait3A_300 = arith.constant 5120 : i32
    %dma_wait3A_301 = tpu.memref_slice %arg12[%dma_wait3A_300] : memref<10000xf32, #tpu.memory_space<vmem>> -> memref<4880xf32, #tpu.memory_space<vmem>>
    %dma_wait3A_302 = arith.constant 5120 : i32
    %dma_wait3A_303 = tpu.memref_slice %arg8[%dma_wait3A_302] : memref<10000xi32, #tpu.memory_space<vmem>> -> memref<4880xi32, #tpu.memory_space<vmem>>
    %dma_wait3A_304 = arith.constant 0 : i32
    %dma_wait3A_305 = tpu.memref_slice %arg2[%dma_wait3A_304] : memref<6400000xf32, #tpu.memory_space<hbm>> -> memref<6400000xf32, #tpu.memory_space<hbm>>
    tpu.wait_indirect_dma semaphore(%arg28 : memref<!tpu.dma_semaphore, #tpu.memory_space<semaphore_mem>>) src(%dma_wait3A_305 : memref<6400000xf32, #tpu.memory_space<hbm>>) dst(%dma_wait3A_301 : memref<4880xf32, #tpu.memory_space<vmem>>)
    %add3A_306 = arith.constant 190000 : i32
    %add3A_307 = arith.addi %mul3A_2, %add3A_306 : i32
    %dma_start3A_308 = tpu.memref_slice %arg4[%add3A_307] : memref<6400000xf32, #tpu.memory_space<hbm>> -> memref<10000xf32, #tpu.memory_space<hbm>>
    %dma_start3A_309 = tpu.memref_slice %arg4[%add3A_307] : memref<6400000xf32, #tpu.memory_space<hbm>> -> memref<10000xf32, #tpu.memory_space<hbm>>
    tpu.enqueue_dma source(%arg12 : memref<10000xf32, #tpu.memory_space<vmem>>) target(%dma_start3A_309 : memref<10000xf32, #tpu.memory_space<hbm>>) target_semaphore(%arg24 : memref<!tpu.dma_semaphore, #tpu.memory_space<semaphore_mem>>)
    %add3A_310 = arith.constant 160000 : i32
    %add3A_311 = arith.addi %mul3A_2, %add3A_310 : i32
    %dma_wait3A_312 = tpu.memref_slice %arg4[%add3A_311] : memref<6400000xf32, #tpu.memory_space<hbm>> -> memref<10000xf32, #tpu.memory_space<hbm>>
    %dma_wait3A_313 = tpu.memref_slice %arg4[%add3A_311] : memref<6400000xf32, #tpu.memory_space<hbm>> -> memref<10000xf32, #tpu.memory_space<hbm>>
    tpu.wait_dma2 semaphore(%arg21 : memref<!tpu.dma_semaphore, #tpu.memory_space<semaphore_mem>>) src(%arg9 : memref<10000xf32, #tpu.memory_space<vmem>>) dst(%dma_wait3A_313 : memref<10000xf32, #tpu.memory_space<hbm>>)
    %add3A_314 = arith.constant 170000 : i32
    %add3A_315 = arith.addi %mul3A_2, %add3A_314 : i32
    %dma_wait3A_316 = tpu.memref_slice %arg4[%add3A_315] : memref<6400000xf32, #tpu.memory_space<hbm>> -> memref<10000xf32, #tpu.memory_space<hbm>>
    %dma_wait3A_317 = tpu.memref_slice %arg4[%add3A_315] : memref<6400000xf32, #tpu.memory_space<hbm>> -> memref<10000xf32, #tpu.memory_space<hbm>>
    tpu.wait_dma2 semaphore(%arg22 : memref<!tpu.dma_semaphore, #tpu.memory_space<semaphore_mem>>) src(%arg10 : memref<10000xf32, #tpu.memory_space<vmem>>) dst(%dma_wait3A_317 : memref<10000xf32, #tpu.memory_space<hbm>>)
    %add3A_318 = arith.constant 180000 : i32
    %add3A_319 = arith.addi %mul3A_2, %add3A_318 : i32
    %dma_wait3A_320 = tpu.memref_slice %arg4[%add3A_319] : memref<6400000xf32, #tpu.memory_space<hbm>> -> memref<10000xf32, #tpu.memory_space<hbm>>
    %dma_wait3A_321 = tpu.memref_slice %arg4[%add3A_319] : memref<6400000xf32, #tpu.memory_space<hbm>> -> memref<10000xf32, #tpu.memory_space<hbm>>
    tpu.wait_dma2 semaphore(%arg23 : memref<!tpu.dma_semaphore, #tpu.memory_space<semaphore_mem>>) src(%arg11 : memref<10000xf32, #tpu.memory_space<vmem>>) dst(%dma_wait3A_321 : memref<10000xf32, #tpu.memory_space<hbm>>)
    %add3A_322 = arith.constant 190000 : i32
    %add3A_323 = arith.addi %mul3A_2, %add3A_322 : i32
    %dma_wait3A_324 = tpu.memref_slice %arg4[%add3A_323] : memref<6400000xf32, #tpu.memory_space<hbm>> -> memref<10000xf32, #tpu.memory_space<hbm>>
    %dma_wait3A_325 = tpu.memref_slice %arg4[%add3A_323] : memref<6400000xf32, #tpu.memory_space<hbm>> -> memref<10000xf32, #tpu.memory_space<hbm>>
    tpu.wait_dma2 semaphore(%arg24 : memref<!tpu.dma_semaphore, #tpu.memory_space<semaphore_mem>>) src(%arg12 : memref<10000xf32, #tpu.memory_space<vmem>>) dst(%dma_wait3A_325 : memref<10000xf32, #tpu.memory_space<hbm>>)
    return
  }
}

</mosaic_0001>

<sc_bundles>
// kernel: kernel.3.cloned.1.call-start
scs
__scs_entry_jumppad:
0x0: {  	(pc) =	sbr.rel $0x88, $3  }
0x1: {  	(tag) =	ssettag $0x0;
	lr =	simm.s32 $0x1  }
0x2: {  	[smem:$0x3F9F] =	sst lr;
	_ =	strace $0xD0000000  }
0x3: {  	_ = 	snop  }
0x4: {  	_ = 	snop  }
0x5: {  	_ = 	snop  }
0x6: {  	_ = 	snop  }
0x7: {  	_ = 	snop  }
__scs_overlays_trampoline_lowered:
0x8: {  	[smem:$0x3FAE] =	sst s0  }
0x9: {  	[smem:$0x3FAF] =	sst s1  }
0xa: {  	[smem:$0x3FB0] =	sst s2  }
0xb: {  	[smem:$0x3FB1] =	sst s3  }
0xc: {  	[smem:$0x3FB2] =	sst s4  }
0xd: {  	[smem:$0x3FB3] =	sst s5  }
0xe: {  	[smem:$0x3FB4] =	sst s6  }
0xf: {  	[smem:$0x3FB5] =	sst s7  }
0x10: {  	[smem:$0x3FB6] =	sst s8  }
0x11: {  	[smem:$0x3FB7] =	sst s9;
	s0 =	simm.s32 @!p0 $0x0  }
0x12: {  	s1 =	sld [smem:$0x3F9D];
	s0 =	simm.s32 @p0 $0x1  }
0x13: {  	[smem:$0x3FB8] =	sst s0;
	s0 =	simm.s32 @!p1 $0x0  }
0x14: {  	s2 =	sld [smem:$0x3F9C];
	s0 =	simm.s32 @p1 $0x1  }
0x15: {  	[smem:$0x3FB9] =	sst s0;
	s0 =	simm.s32 @!p2 $0x0  }
0x16: {  	s3 =	sld [smem:$0x3FDB];
	s0 =	simm.s32 @p2 $0x1  }
0x17: {  	s4 =	simm.s32 $0x1BF5;
	[smem:$0x3FBB] =	sst s0  }
0x18: {  	s0 =	sld [smem:$0x3F9E];
	_ =	swait.ge [sflag:s4], $0x0  }
0x19: {  	s7 =	sld [smem:$0x3F9F]  }
0x1a: {  	s8 =	sadd.s32 $0xFFFFE003, lr  }
0x1b: {  	s9 =	sadd.s32 $0xFFFFFEF7, lr;
	s5 =	simm.s32 $0xFFFFFFFF;
	p2 =	slt.u32 s8, $0xFFFFF086  }
0x1c: {  	p1 =	slt.u32 s9, $0xF7A;
	s5 =	simm.s32 @!p2 $0x0  }
0x1d: {  	s5 =	simm.s32 @p1 $0x1;
	p0 =	seq.s32 s7, s2  }
0x1e: {  	s7 =	smul.u32 @!p0 $0xF7A, s2;
	p2 =	seq.s32 @!p0 s5, $0x0  }
0x1f: {  	s9 =	smul.u32 $0xF7A, s1;
	s8 =	simm.s32 @!p0 $0x1BF5;
	p2 =	por !p2, p0  }
0x20: {  	[sflag:s8] =	ssyncset.s32 @!p0 $0xFFFFF086;
	s6 =	sadd.s32 @!p0 s3, s7;
	s7 =	simm.s32 @!p0 $0x108  }
0x21: {  	s3 =	sadd.s32 s3, s9;
	s6 =	sadd.s32 @!p0 $0x88, s6;
	s7 =	simm.s32 @p2 $0x1082  }
0x22: {  	[simem:s7], [sflag:s8] =	dma.local @!p0 [hbm:s6], $0xF7A  }
0x23: {  	s9 =	sor.u32 $0xD0000000, s2;
	s6 =	simm.s32 $0x108;
	_ =	swait.ge @!p0 [sflag:s8], $0x0  }
0x24: {  	s3 =	sadd.s32 $0x88, s3;
	s6 =	simm.s32 @!p1 $0x1082;
	[sflag:s4] =	ssyncset.s32 $0xFFFFF086  }
0x25: {  	[simem:s6], [sflag:s4] =	dma.local [hbm:s3], $0xF7A  }
0x26: {  	[smem:$0x3F9F] =	sst s1;
	(tag) =	ssettag s2;
	_ =	strace s9  }
0x27: {  	s1 =	sld [smem:$0x3FAF]  }
0x28: {  	s2 =	sld [smem:$0x3FB0]  }
0x29: {  	s4 =	sld [smem:$0x3FB2]  }
0x2a: {  	p0 =	seq.s32 s5, $0x0;
	s5 =	sld [smem:$0x3FB3]  }
0x2b: {  	s6 =	sld [smem:$0x3FB4]  }
0x2c: {  	s7 =	sld [smem:$0x3FB5]  }
0x2d: {  	s3 =	simm.s32 $0x108;
	s8 =	sld [smem:$0x3FB6]  }
0x2e: {  	s3 =	simm.s32 @!p0 $0x1082;
	s9 =	sld [smem:$0x3FB7]  }
0x2f: {  	lr =	sadd.s32 s0, s3;
	s0 =	sld [smem:$0x3FAE]  }
0x30: {  	s3 =	sld [smem:$0x3FB1]  }
0x31: {  	[smem:$0x3FBA] =	sst s10  }
0x32: {  	s10 =	sld [smem:$0x3FB8];
	_ =	sdelay $0x3  }
0x33: {  	p0 =	seq.s32 s10, $0x1;
	s10 =	sld [smem:$0x3FBA];
	_ =	sdelay $0x3  }
0x34: {  	[smem:$0x3FBA] =	sst s10  }
0x35: {  	s10 =	sld [smem:$0x3FB9];
	_ =	sdelay $0x3  }
0x36: {  	p1 =	seq.s32 s10, $0x1;
	s10 =	sld [smem:$0x3FBA];
	_ =	sdelay $0x3  }
0x37: {  	[smem:$0x3FBA] =	sst s10  }
0x38: {  	s10 =	sld [smem:$0x3FBB]  }
0x39: {  	_ = 	snop;
	(pc) =	sbr.ind lr, $3  }
0x3a: {  	_ = 	snop  }
0x3b: {  	_ = 	snop  }
0x3c: {  	p2 =	seq.s32 s10, $0x1;
	s10 =	sld [smem:$0x3FBA]  }
0x3d: {  	_ =	shalt  }
0x3e: {  	_ =	shalt  }
0x3f: {  	_ =	shalt  }
0x40: {  	_ =	shalt  }
0x41: {  	_ =	shalt  }
0x42: {  	_ =	shalt  }
0x43: {  	_ =	shalt  }
0x44: {  	_ =	shalt  }
0x45: {  	_ =	shalt  }
0x46: {  	_ =	shalt  }
0x47: {  	_ =	shalt  }
0x48: {  	_ =	shalt  }
0x49: {  	_ =	shalt  }
0x4a: {  	_ =	shalt  }
0x4b: {  	_ =	shalt  }
0x4c: {  	_ =	shalt  }
0x4d: {  	_ =	shalt  }
0x4e: {  	_ =	shalt  }
0x4f: {  	_ =	shalt  }
0x50: {  	_ =	shalt  }
0x51: {  	_ =	shalt  }
0x52: {  	_ =	shalt  }
0x53: {  	_ =	shalt  }
0x54: {  	_ =	shalt  }
0x55: {  	_ =	shalt  }
0x56: {  	_ =	shalt  }
0x57: {  	_ =	shalt  }
0x58: {  	_ =	shalt  }
0x59: {  	_ =	shalt  }
0x5a: {  	_ =	shalt  }
0x5b: {  	_ =	shalt  }
0x5c: {  	_ =	shalt  }
0x5d: {  	_ =	shalt  }
0x5e: {  	_ =	shalt  }
0x5f: {  	_ =	shalt  }
0x60: {  	_ =	shalt  }
0x61: {  	_ =	shalt  }
0x62: {  	_ =	shalt  }
0x63: {  	_ =	shalt  }
0x64: {  	_ =	shalt  }
0x65: {  	_ =	shalt  }
0x66: {  	_ =	shalt  }
0x67: {  	_ =	shalt  }
0x68: {  	_ =	shalt  }
0x69: {  	_ =	shalt  }
0x6a: {  	_ =	shalt  }
0x6b: {  	_ =	shalt  }
0x6c: {  	_ =	shalt  }
0x6d: {  	_ =	shalt  }
0x6e: {  	_ =	shalt  }
0x6f: {  	_ =	shalt  }
0x70: {  	_ =	shalt  }
0x71: {  	_ =	shalt  }
0x72: {  	_ =	shalt  }
0x73: {  	_ =	shalt  }
0x74: {  	_ =	shalt  }
0x75: {  	_ =	shalt  }
0x76: {  	_ =	shalt  }
0x77: {  	_ =	shalt  }
0x78: {  	_ =	shalt  }
0x79: {  	_ =	shalt  }
0x7a: {  	_ =	shalt  }
0x7b: {  	_ =	shalt  }
0x7c: {  	_ =	shalt  }
0x7d: {  	_ =	shalt  }
0x7e: {  	_ =	shalt  }
0x7f: {  	_ =	shalt  }
0x80: {  	_ =	shalt  }
0x81: {  	_ =	shalt  }
0x82: {  	_ =	shalt  }
0x83: {  	_ =	shalt  }
0x84: {  	_ =	shalt  }
0x85: {  	_ =	shalt  }
0x86: {  	_ =	shalt  }
0x87: {  	_ =	shalt  }
.Lfunc_end0:
.L_simem_size_0:
called_computation_lowered:
.L_overlay_start_0:
0x88: {  	s2 =	sld [smem:$0x3FD9]  }
0x89: {  	s3 =	sld [smem:$0x3FFE];
	_ =	sdelay $0x1  }
0x8a: {  	s1 =	srdreg.scid  }
0x8b: {  	s0 =	sand.u32 $0x1, s1  }
0x8c: {  	s18 =	sshll.u32 s0, $0xA;
	s2 =	sadd.s32 s3, s2  }
0x8d: {  	s2 =	sadd.s32 s2, s18  }
0x8e: {  	[smem:$0x3FC6] =	sst s2  }
0x8f: {  	_ = 	snop  }
0x90: {  	s2 =	sld [smem:$0x3FC9]  }
0x91: {  	s19 =	sld [smem:$0x3FC8]  }
0x92: {  	s4 =	sld [smem:$0x3FD0];
	(tm) =	ssettm $0x1  }
0x93: {  	s5 =	sld [smem:$0x3FFB];
	_ =	sdelay $0x3  }
0x94: {  	_ =	strace s5  }
0x95: {  	s5 =	sld [smem:$0x3FFC];
	_ =	sdelay $0x3  }
0x96: {  	_ =	strace s5  }
0x97: {  	s5 =	sld [smem:$0x3FFD];
	_ =	sdelay $0x3  }
0x98: {  	_ =	strace s5  }
0x99: {  	_ =	strace $0x8FFFFFFF  }
0x9a: {  	s20 =	sld [smem:$0x3FDB];
	_ =	sdelay $0x1  }
0x9b: {  	s6 =	simm.s32 $_scs_section_size  }
0x9c: {  	s7 =	simm.s32 $_size__tile_overlayer_lowered;
	s8 =	simm.s32 $_tile_overlayer_lowered  }
0x9d: {  	s23 =	simm.s32 $0x1BFF;
	s22 =	sshll.u32 s8, $0x1;
	s5 =	sadd.s32 s6, s20  }
0x9e: {  	s9 =	simm.s32 $0x0;
	s21 =	sshll.u32 s7, $0x1;
	s7 =	sadd.s32 s22, s5  }
0x9f: {  	[timem:s9], [sflag:s23] =	dma.local [hbm:s7], s21  }
0xa0: {  	_ =	swait.ge [sflag:s23], s21  }
0xa1: {  	s6 =	ssub.s32 $0x0, s21;
	[sflag:s23] =	ssyncset.done $0x0  }
0xa2: {  	[sflag:s23] =	ssyncadd.s32 s6;
	_ =	sdelay $0x1  }
0xa3: {  	s24 =	simm.s32 $0x1B8B  }
0xa4: {  	_ =	swait.ge [sflag:s24], $0x1  }
0xa5: {  	[sflag:s24] =	ssyncset.done $0x0  }
0xa6: {  	s25 =	simm.s32 $0x1B8E;
	[sflag:s24] =	ssyncadd.s32 $0xFFFFFFFF  }
0xa7: {  	s26 =	simm.s32 $execute0_lowered;
	[smem:$0x3FD2] =	sst s25  }
0xa8: {  	s6 =	sshll.u32 s26, $0x1;
	_ =	strace $0x80000046;
	[dreg:$0x1] =	wrdreg $0xFFFFFFFF  }
0xa9: {  	s28 =	simm.s32 $_size_execute0_lowered;
	s5 =	sadd.s32 s5, s6;
	[dreg:$0x0] =	wrdreg $0x0  }
0xaa: {  	s6 =	sshll.u32 s28, $0x1;
	[dreg:$0x2] =	wrdreg s5  }
0xab: {  	[dreg:$0x3] =	wrdreg s6  }
0xac: {  	[dreg:$0x4] =	wrdreg $0xC0  }
0xad: {  	_ =	task [dreg:s9], $0x5FFFF  }
0xae: {  	[dreg:$0x1] =	wrdreg $0xFFFFFFFF  }
0xaf: {  	[dreg:$0x0] =	wrdreg $0x60  }
0xb0: {  	[dreg:$0x2] =	wrdreg s2  }
0xb1: {  	[dreg:$0x3] =	wrdreg s19  }
0xb2: {  	[dreg:$0x4] =	wrdreg s4  }
0xb3: {  	[dreg:$0x5] =	wrdreg $0x9  }
0xb4: {  	_ =	task.clear_ibuf [dreg:s9], $0x6FFFF;
	_ =	strace $0x90000046  }
0xb5: {  	s29 =	simm.s32 $0x9;
	_ =	strace $0x80000048  }
0xb6: {  	_ =	swait.ge [sflag:s29], $0x1  }
0xb7: {  	[sflag:s29] =	ssyncadd.s32 $0xFFFFFFFF  }
0xb8: {  	_ =	strace $0x90000048  }
0xb9: {  	_ =	sfence  }
0xba: {  	s30 =	sld [smem:$0x0];
	_ =	sdelay $0x2  }
0xbb: {  	s31 =	sshll.u32 s1, $0xD;
	s1 =	sshrl.u32 s1, $0x2  }
0xbc: {  	s3 =	sand.u32 $0x4000, s31;
	s1 =	sadd.s32 s1, s30  }
0xbd: {  	s0 =	sor.u32 s3, s0;
	s1 =	sshll.u32 s1, $0x11  }
0xbe: {  	s0 =	sor.u32 s1, s0  }
0xbf: {  	s0 =	sadd.s32 $0x8F2B, s0  }
0xc0: {  	[sflag:s0] =	ssyncadd.remote.s32 $0x1  }
0xc1: {  	_ =	sfence.sel $0xFFFF  }
0xc2: {  	[dreg:$0x0] =	wrdreg $0xFFFFFFFF;
	(pc) =	sbr.abs _section_cstart, $3  }
0xc3: {  	[dreg:$0x1] =	wrdreg $0xFFFFFFFF  }
0xc4: {  	_ =	task.clear_ibuf [dreg:s9], $0x2FFFF;
	_ =	strace $0x9FFFFFFF  }
0xc5: {  	(tm) =	ssettm $0x7FFFFFFF  }
tec
execute0_lowered:
.L_overlay_start_1:
0x0: {  	(tag) =	ssettag $0x1  }
0x1: {  	s1 =	rddreg [dreg:$0x0]  }
0x2: {  	s0 =	srdreg.scid;
	s3 =	rddreg [dreg:$0x1]  }
0x3: {  	s8 =	stileid.u32;
	s24 =	rddreg [dreg:$0x2]  }
0x4: {  	s4 =	simm.s32 $0x0;
	s29 =	simm.s32 $0x1310;
	s30 =	simm.s32 $0xA  }
0x5: {  	s0 =	sand.u32 $0x1, s0;
	s2 =	sshll.u32 s8, $0x1;
	s8 =	smul.u32 $0x61A80, s8  }
0x6: {  	s2 =	sor.u32 s0, s2;
	s5 =	ssub.s32 $0x2, s0;
	s0 =	smul.u32 $0x30D40, s0  }
0x7: {  	[smem:$0x7FF] =	sst s4;
	s2 =	smul.u32 $0x30D40, s2;
	s6 =	sshrl.u32 s5, $0x1  }
0x8: {  	_ =	strace $0x80000047;
	s5 =	ssub.s32 s5, s6;
	s0 =	sadd.s32 s0, s8  }
0x9: {  	s2 =	sshrl.u32 s2, $0x3;
	s8 =	sadd.s32 $0x186A0, s0;
	s14 =	sadd.s32 $0xEA60, s0  }
0xa: {  	s16 =	sadd.s32 $0x13880, s0;
	s21 =	sadd.s32 $0x4E2, s2;
	s9 =	sadd.s32 s3, s2  }
0xb: {  	s22 =	sadd.s32 $0x9C4, s2;
	s7 =	sadd.s32 s3, s21;
	[dreg:$0xb] =	wrdreg s9  }
0xc: {  	s17 =	sadd.s32 $0xC350, s0;
	s10 =	sadd.s32 s3, s22;
	[dreg:$0xc] =	wrdreg s7  }
0xd: {  	s15 =	sshrl.u32 s14, $0x3;
	s23 =	sadd.s32 $0xEA6, s9;
	[dreg:$0xd] =	wrdreg s10  }
0xe: {  	s19 =	sshrl.u32 s17, $0x3;
	s11 =	sadd.s32 $0x1388, s9;
	[dreg:$0xe] =	wrdreg s23  }
0xf: {  	s17 =	simm.s32 $0x4;
	s6 =	sadd.s32 s24, s21;
	[dreg:$0x10] =	wrdreg s11  }
0x10: {  	s25 =	sadd.s32 $0x186A, s9;
	s26 =	sadd.s32 s24, s22;
	[dreg:$0x11] =	wrdreg s6  }
0x11: {  	s28 =	sadd.s32 $0x1D4C, s9;
	s20 =	sadd.s32 s19, s24;
	[dreg:$0x12] =	wrdreg s25  }
0x12: {  	s21 =	sadd.s32 $0x11170, s0;
	s10 =	sadd.s32 s24, s2;
	[dreg:$0x13] =	wrdreg s26  }
0x13: {  	[dreg:$0x14] =	wrdreg s28;
	s2 =	sadd.s32 $0x5CC6, s2;
	s6 =	sshrl.u32 s8, $0x3  }
0x14: {  	s11 =	sadd.s32 $0x15F90, s0;
	[dreg:$0x8] =	wrdreg s20;
	s22 =	sshrl.u32 s21, $0x3  }
0x15: {  	s23 =	sadd.s32 $0x7530, s0;
	s0 =	sadd.s32 $0x9C40, s0;
	[dreg:$0xf] =	wrdreg s10  }
0x16: {  	s8 =	simm.s32 $0x5;
	s31 =	sadd.s32 $0x493E, s10;
	[dreg:$0x1c] =	wrdreg s0  }
0x17: {  	s21 =	simm.s32 $0x7;
	s7 =	sadd.s32 s3, s2;
	[dreg:$0x15] =	wrdreg s31  }
0x18: {  	s9 =	sadd.s32 $0x4E20, s10;
	s12 =	sadd.s32 $0x5302, s10;
	[dreg:$0x16] =	wrdreg s7  }
0x19: {  	s6 =	sadd.s32 s6, s3;
	s25 =	sadd.s32 $0x57E4, s10;
	[dreg:$0x17] =	wrdreg s9  }
0x1a: {  	s26 =	sshrl.u32 s23, $0x3;
	s2 =	sadd.s32 s24, s2;
	[dreg:$0x18] =	wrdreg s12  }
0x1b: {  	s10 =	simm.s32 $0xD;
	s0 =	simm.s32 $0x0;
	[dreg:$0x4] =	wrdreg s6  }
0x1c: {  	s7 =	sshrl.u32 s11, $0x3;
	s6 =	sadd.s32 s15, s24;
	[dreg:$0x19] =	wrdreg s25  }
0x1d: {  	[dreg:$0x1a] =	wrdreg s2;
	s28 =	sadd.s32 s26, s24;
	s31 =	smax.u32 s5, $0x1  }
0x1e: {  	s26 =	simm.s32 $0x1400;
	s2 =	simm.s32 $0x2;
	s11 =	simm.s32 $0x3  }
0x1f: {  	s15 =	simm.s32 $0x6;
	s5 =	simm.s32 $0xF;
	[dreg:$0x6] =	wrdreg s6  }
0x20: {  	s9 =	simm.s32 $0x9;
	s13 =	sadd.s32 s7, s3;
	[dreg:$0x1b] =	wrdreg s31  }
0x21: {  	s7 =	sshrl.u32 s16, $0x3;
	[dreg:$0xa] =	wrdreg s28;
	s16 =	simm.s32 $0xE  }
0x22: {  	s6 =	simm.s32 $0xB;
	[dreg:$0x5] =	wrdreg s13;
	s18 =	sadd.s32 s7, s3  }
0x23: {  	s3 =	sadd.s32 s22, s3;
	s22 =	simm.s32 $0x8;
	[dreg:$0x7] =	wrdreg s18  }
0x24: {  	s7 =	simm.s32 $0xC;
	[dreg:$0x9] =	wrdreg s3;
	s3 =	simm.s32 $0x10  }
.LBB2_1:
0x25: {  	[dreg:$0x1d] =	wrdreg s0  }
0x26: {  	s13 =	rddreg [dreg:$0xb]  }
0x27: {  	[tilespmem:s4], [sflag:$0x1] =	stream.linear.gather [hbm4b:s13+s4], $0x2710, $0x38;
	[tilespmem:$0x13C00] =	vst v63  }
0x28: {  	s14 =	rddreg [dreg:$0xc];
	s19 =	simm.s32 $0x2780  }
0x29: {  	[tilespmem:s19], [sflag:$0x2] =	stream.linear.gather [hbm4b:s14+s4], $0x2710, $0x38;
	[tilespmem:$0x13C00] =	vst v63  }
0x2a: {  	s18 =	rddreg [dreg:$0xd];
	s23 =	simm.s32 $0x4F00;
	s14 =	simm.s32 $0x1  }
0x2b: {  	[tilespmem:s23], [sflag:$0x3] =	stream.linear.gather [hbm4b:s18+s4], $0x2710, $0x38;
	[tilespmem:$0x13C00] =	vst v63  }
0x2c: {  	_ =	swait.ge [sflag:s14], $0x2710  }
0x2d: {  	[sflag:s14] =	ssyncset.done $0x0  }
0x2e: {  	s28 =	simm.s32 $0x9E00;
	[sflag:s14] =	ssyncadd.s32 $0xFFFFD8F0  }
0x2f: {  	[tilespmem:s28], [sflag:$0x5] =	stream.indirect.gather [hbm4b:s1+s26], $0x1, s4, s26, $0xb8;
	[tilespmem:$0x13C00] =	vst v63  }
0x30: {  	s0 =	simm.s32 $0xB200  }
0x31: {  	[tilespmem:s0], [sflag:$0xD] =	stream.indirect.gather [hbm4b:s1+s29], $0x1, s26, s29, $0xb8;
	[tilespmem:$0x13C00] =	vst v63  }
0x32: {  	s31 =	simm.s32 $0x7680;
	s20 =	rddreg [dreg:$0xe]  }
0x33: {  	[tilespmem:s31], [sflag:$0x4] =	stream.linear.gather [hbm4b:s20+s4], $0x2710, $0x38;
	[tilespmem:$0x13C00] =	vst v63  }
0x34: {  	_ =	swait.ge [sflag:s2], $0x2710  }
0x35: {  	[sflag:s2] =	ssyncset.done $0x0  }
0x36: {  	s12 =	simm.s32 $0xC580;
	[sflag:s2] =	ssyncadd.s32 $0xFFFFD8F0  }
0x37: {  	[tilespmem:s12], [sflag:$0x6] =	stream.indirect.gather [hbm4b:s1+s26], $0x1, s19, s26, $0xb8;
	[tilespmem:$0x13C00] =	vst v63  }
0x38: {  	s25 =	simm.s32 $0x3B80;
	s18 =	simm.s32 $0xD980  }
0x39: {  	[tilespmem:s18], [sflag:$0xE] =	stream.indirect.gather [hbm4b:s1+s29], $0x1, s25, s29, $0xb8;
	[tilespmem:$0x13C00] =	vst v63  }
0x3a: {  	_ =	swait.ge [sflag:s8], $0x1400  }
0x3b: {  	[sflag:s8] =	ssyncset.done $0x0  }
0x3c: {  	[sflag:s8] =	ssyncadd.s32 $0xFFFFEC00  }
0x3d: {  	_ =	swait.ge [sflag:s10], $0x1310  }
0x3e: {  	[sflag:s10] =	ssyncset.done $0x0  }
0x3f: {  	s18 =	rddreg [dreg:$0xf];
	[sflag:s10] =	ssyncadd.s32 $0xFFFFECF0  }
0x40: {  	[hbm4b:s18+s4] =	stream.linear.scatter [tilespmem:s28], [sflag:$0x9], $0x2710, $0x38;
	[tilespmem:$0x13C00] =	vst v63  }
0x41: {  	s20 =	rddreg [dreg:$0x10]  }
0x42: {  	[tilespmem:s4], [sflag:$0x1] =	stream.linear.gather [hbm4b:s20+s4], $0x2710, $0x38;
	[tilespmem:$0x13C00] =	vst v63  }
0x43: {  	_ =	swait.ge [sflag:s11], $0x2710  }
0x44: {  	[sflag:s11] =	ssyncset.done $0x0  }
0x45: {  	s18 =	simm.s32 $0xED00;
	[sflag:s11] =	ssyncadd.s32 $0xFFFFD8F0  }
0x46: {  	[tilespmem:s18], [sflag:$0x7] =	stream.indirect.gather [hbm4b:s1+s26], $0x1, s23, s26, $0xb8;
	[tilespmem:$0x13C00] =	vst v63  }
0x47: {  	s25 =	simm.s32 $0x6300;
	s20 =	simm.s32 $0x10100  }
0x48: {  	[tilespmem:s20], [sflag:$0xF] =	stream.indirect.gather [hbm4b:s1+s29], $0x1, s25, s29, $0xb8;
	[tilespmem:$0x13C00] =	vst v63  }
0x49: {  	_ =	swait.ge [sflag:s15], $0x1400  }
0x4a: {  	[sflag:s15] =	ssyncset.done $0x0  }
0x4b: {  	[sflag:s15] =	ssyncadd.s32 $0xFFFFEC00  }
0x4c: {  	_ =	swait.ge [sflag:s16], $0x1310  }
0x4d: {  	[sflag:s16] =	ssyncset.done $0x0  }
0x4e: {  	s20 =	rddreg [dreg:$0x11];
	[sflag:s16] =	ssyncadd.s32 $0xFFFFECF0  }
0x4f: {  	[hbm4b:s20+s4] =	stream.linear.scatter [tilespmem:s12], [sflag:$0xA], $0x2710, $0x38;
	[tilespmem:$0x13C00] =	vst v63  }
0x50: {  	s25 =	rddreg [dreg:$0x12]  }
0x51: {  	[tilespmem:s19], [sflag:$0x2] =	stream.linear.gather [hbm4b:s25+s4], $0x2710, $0x38;
	[tilespmem:$0x13C00] =	vst v63  }
0x52: {  	_ =	swait.ge [sflag:s17], $0x2710  }
0x53: {  	[sflag:s17] =	ssyncset.done $0x0  }
0x54: {  	s25 =	simm.s32 $0x11480;
	[sflag:s17] =	ssyncadd.s32 $0xFFFFD8F0  }
0x55: {  	[tilespmem:s25], [sflag:$0x8] =	stream.indirect.gather [hbm4b:s1+s26], $0x1, s31, s26, $0xb8;
	[tilespmem:$0x13C00] =	vst v63  }
0x56: {  	s13 =	simm.s32 $0x8A80;
	s20 =	simm.s32 $0x12880  }
0x57: {  	[tilespmem:s20], [sflag:$0x10] =	stream.indirect.gather [hbm4b:s1+s29], $0x1, s13, s29, $0xb8;
	[tilespmem:$0x13C00] =	vst v63  }
0x58: {  	_ =	swait.ge [sflag:s21], $0x1400  }
0x59: {  	[sflag:s21] =	ssyncset.done $0x0  }
0x5a: {  	[sflag:s21] =	ssyncadd.s32 $0xFFFFEC00  }
0x5b: {  	_ =	swait.ge [sflag:s5], $0x1310  }
0x5c: {  	[sflag:s5] =	ssyncset.done $0x0  }
0x5d: {  	s20 =	rddreg [dreg:$0x13];
	[sflag:s5] =	ssyncadd.s32 $0xFFFFECF0  }
0x5e: {  	[hbm4b:s20+s4] =	stream.linear.scatter [tilespmem:s18], [sflag:$0xB], $0x2710, $0x38;
	[tilespmem:$0x13C00] =	vst v63  }
0x5f: {  	s20 =	rddreg [dreg:$0x14]  }
0x60: {  	[tilespmem:s23], [sflag:$0x3] =	stream.linear.gather [hbm4b:s20+s4], $0x2710, $0x38;
	[tilespmem:$0x13C00] =	vst v63  }
0x61: {  	_ =	swait.ge [sflag:s9], $0x2710  }
0x62: {  	[sflag:s9] =	ssyncset.done $0x0  }
0x63: {  	[sflag:s9] =	ssyncadd.s32 $0xFFFFD8F0  }
0x64: {  	_ =	swait.ge [sflag:s14], $0x2710  }
0x65: {  	[sflag:s14] =	ssyncset.done $0x0  }
0x66: {  	[sflag:s14] =	ssyncadd.s32 $0xFFFFD8F0  }
0x67: {  	[tilespmem:s28], [sflag:$0x5] =	stream.indirect.gather [hbm4b:s1+s26], $0x1, s4, s26, $0xb8;
	[tilespmem:$0x13C00] =	vst v63  }
0x68: {  	_ = 	snop  }
0x69: {  	[tilespmem:s0], [sflag:$0xD] =	stream.indirect.gather [hbm4b:s1+s29], $0x1, s26, s29, $0xb8;
	[tilespmem:$0x13C00] =	vst v63  }
0x6a: {  	_ =	swait.ge [sflag:s22], $0x1400  }
0x6b: {  	[sflag:s22] =	ssyncset.done $0x0  }
0x6c: {  	[sflag:s22] =	ssyncadd.s32 $0xFFFFEC00  }
0x6d: {  	_ =	swait.ge [sflag:s3], $0x1310  }
0x6e: {  	s14 =	rddreg [dreg:$0xa];
	[sflag:s3] =	ssyncset.done $0x0  }
0x6f: {  	s20 =	rddreg [dreg:$0x9];
	[sflag:s3] =	ssyncadd.s32 $0xFFFFECF0;
	s13 =	sadd.s32 $0x0, s14  }
0x70: {  	[hbm4b:s13+s4] =	stream.linear.scatter [tilespmem:s25], [sflag:$0xC], $0x2710, $0x38;
	[tilespmem:$0x13C00] =	vst v63  }
0x71: {  	s0 =	sadd.s32 $0x0, s20  }
0x72: {  	[tilespmem:s31], [sflag:$0x4] =	stream.linear.gather [hbm4b:s0+s4], $0x2710, $0x38;
	[tilespmem:$0x13C00] =	vst v63  }
0x73: {  	_ =	swait.ge [sflag:s30], $0x2710  }
0x74: {  	[sflag:s30] =	ssyncset.done $0x0  }
0x75: {  	[sflag:s30] =	ssyncadd.s32 $0xFFFFD8F0  }
0x76: {  	_ =	swait.ge [sflag:s2], $0x2710  }
0x77: {  	[sflag:s2] =	ssyncset.done $0x0  }
0x78: {  	[sflag:s2] =	ssyncadd.s32 $0xFFFFD8F0  }
0x79: {  	[tilespmem:s12], [sflag:$0x6] =	stream.indirect.gather [hbm4b:s1+s26], $0x1, s19, s26, $0xb8;
	[tilespmem:$0x13C00] =	vst v63  }
0x7a: {  	s14 =	simm.s32 $0xD980;
	s20 =	simm.s32 $0x3B80  }
0x7b: {  	[tilespmem:s14], [sflag:$0xE] =	stream.indirect.gather [hbm4b:s1+s29], $0x1, s20, s29, $0xb8;
	[tilespmem:$0x13C00] =	vst v63  }
0x7c: {  	_ =	swait.ge [sflag:s8], $0x1400  }
0x7d: {  	[sflag:s8] =	ssyncset.done $0x0  }
0x7e: {  	[sflag:s8] =	ssyncadd.s32 $0xFFFFEC00  }
0x7f: {  	_ =	swait.ge [sflag:s10], $0x1310  }
0x80: {  	s20 =	rddreg [dreg:$0x1c]  }
0x81: {  	[sflag:s10] =	ssyncset.done $0x0;
	s14 =	sshrl.u32 s20, $0x3  }
0x82: {  	s0 =	rddreg [dreg:$0x7];
	[sflag:s10] =	ssyncadd.s32 $0xFFFFECF0;
	s13 =	sadd.s32 s24, s14  }
0x83: {  	[hbm4b:s13+s4] =	stream.linear.scatter [tilespmem:s28], [sflag:$0x9], $0x2710, $0x38;
	[tilespmem:$0x13C00] =	vst v63  }
0x84: {  	s0 =	sadd.s32 $0x0, s0  }
0x85: {  	[tilespmem:s4], [sflag:$0x1] =	stream.linear.gather [hbm4b:s0+s4], $0x2710, $0x38;
	[tilespmem:$0x13C00] =	vst v63  }
0x86: {  	_ =	swait.ge [sflag:s6], $0x2710  }
0x87: {  	[sflag:s6] =	ssyncset.done $0x0  }
0x88: {  	[sflag:s6] =	ssyncadd.s32 $0xFFFFD8F0  }
0x89: {  	_ =	swait.ge [sflag:s11], $0x2710  }
0x8a: {  	[sflag:s11] =	ssyncset.done $0x0  }
0x8b: {  	[sflag:s11] =	ssyncadd.s32 $0xFFFFD8F0  }
0x8c: {  	[tilespmem:s18], [sflag:$0x7] =	stream.indirect.gather [hbm4b:s1+s26], $0x1, s23, s26, $0xb8;
	[tilespmem:$0x13C00] =	vst v63  }
0x8d: {  	s14 =	simm.s32 $0x10100;
	s23 =	simm.s32 $0x6300  }
0x8e: {  	[tilespmem:s14], [sflag:$0xF] =	stream.indirect.gather [hbm4b:s1+s29], $0x1, s23, s29, $0xb8;
	[tilespmem:$0x13C00] =	vst v63  }
0x8f: {  	_ =	swait.ge [sflag:s15], $0x1400  }
0x90: {  	[sflag:s15] =	ssyncset.done $0x0  }
0x91: {  	[sflag:s15] =	ssyncadd.s32 $0xFFFFEC00  }
0x92: {  	_ =	swait.ge [sflag:s16], $0x1310  }
0x93: {  	s28 =	rddreg [dreg:$0x8];
	[sflag:s16] =	ssyncset.done $0x0  }
0x94: {  	s0 =	rddreg [dreg:$0x5];
	[sflag:s16] =	ssyncadd.s32 $0xFFFFECF0;
	s13 =	sadd.s32 $0x0, s28  }
0x95: {  	[hbm4b:s13+s4] =	stream.linear.scatter [tilespmem:s12], [sflag:$0xA], $0x2710, $0x38;
	[tilespmem:$0x13C00] =	vst v63  }
0x96: {  	s14 =	sadd.s32 $0x0, s0  }
0x97: {  	[tilespmem:s19], [sflag:$0x2] =	stream.linear.gather [hbm4b:s14+s4], $0x2710, $0x38;
	[tilespmem:$0x13C00] =	vst v63  }
0x98: {  	_ =	swait.ge [sflag:s7], $0x2710  }
0x99: {  	[sflag:s7] =	ssyncset.done $0x0  }
0x9a: {  	[sflag:s7] =	ssyncadd.s32 $0xFFFFD8F0  }
0x9b: {  	_ =	swait.ge [sflag:s17], $0x2710  }
0x9c: {  	[sflag:s17] =	ssyncset.done $0x0  }
0x9d: {  	[sflag:s17] =	ssyncadd.s32 $0xFFFFD8F0  }
0x9e: {  	[tilespmem:s25], [sflag:$0x8] =	stream.indirect.gather [hbm4b:s1+s26], $0x1, s31, s26, $0xb8;
	[tilespmem:$0x13C00] =	vst v63  }
0x9f: {  	s23 =	simm.s32 $0x12880;
	s25 =	simm.s32 $0x8A80  }
0xa0: {  	[tilespmem:s23], [sflag:$0x10] =	stream.indirect.gather [hbm4b:s1+s29], $0x1, s25, s29, $0xb8;
	[tilespmem:$0x13C00] =	vst v63  }
0xa1: {  	_ =	swait.ge [sflag:s21], $0x1400  }
0xa2: {  	[sflag:s21] =	ssyncset.done $0x0  }
0xa3: {  	[sflag:s21] =	ssyncadd.s32 $0xFFFFEC00  }
0xa4: {  	_ =	swait.ge [sflag:s5], $0x1310  }
0xa5: {  	s28 =	rddreg [dreg:$0x6];
	[sflag:s5] =	ssyncset.done $0x0  }
0xa6: {  	s31 =	rddreg [dreg:$0x4];
	[sflag:s5] =	ssyncadd.s32 $0xFFFFECF0;
	s13 =	sadd.s32 $0x0, s28  }
0xa7: {  	[hbm4b:s13+s4] =	stream.linear.scatter [tilespmem:s18], [sflag:$0xB], $0x2710, $0x38;
	[tilespmem:$0x13C00] =	vst v63  }
0xa8: {  	s14 =	sadd.s32 $0x9C40, s20;
	s19 =	sadd.s32 $0x0, s31;
	s13 =	simm.s32 $0x1388  }
.LBB2_2:
0xa9: {  	s28 =	simm.s32 $0x4F00  }
0xaa: {  	[tilespmem:s28], [sflag:$0x3] =	stream.linear.gather [hbm4b:s19+s4], $0x2710, $0x38;
	[tilespmem:$0x13C00] =	vst v63  }
0xab: {  	_ =	swait.ge [sflag:s9], $0x2710  }
0xac: {  	[sflag:s9] =	ssyncset.done $0x0  }
0xad: {  	s0 =	simm.s32 $0x1;
	[sflag:s9] =	ssyncadd.s32 $0xFFFFD8F0  }
0xae: {  	_ =	swait.ge [sflag:s0], $0x2710  }
0xaf: {  	[sflag:s0] =	ssyncset.done $0x0  }
0xb0: {  	[sflag:s0] =	ssyncadd.s32 $0xFFFFD8F0;
	s0 =	simm.s32 $0x9E00  }
0xb1: {  	[tilespmem:s0], [sflag:$0x5] =	stream.indirect.gather [hbm4b:s1+s26], $0x1, s4, s26, $0xb8;
	[tilespmem:$0x13C00] =	vst v63  }
0xb2: {  	s20 =	simm.s32 $0xB200  }
0xb3: {  	[tilespmem:s20], [sflag:$0xD] =	stream.indirect.gather [hbm4b:s1+s29], $0x1, s26, s29, $0xb8;
	[tilespmem:$0x13C00] =	vst v63  }
0xb4: {  	_ =	swait.ge [sflag:s22], $0x1400  }
0xb5: {  	[sflag:s22] =	ssyncset.done $0x0  }
0xb6: {  	[sflag:s22] =	ssyncadd.s32 $0xFFFFEC00  }
0xb7: {  	_ =	swait.ge [sflag:s3], $0x1310  }
0xb8: {  	s25 =	rddreg [dreg:$0xa]  }
0xb9: {  	s19 =	smov.u32 s13;
	[sflag:s3] =	ssyncset.done $0x0;
	s23 =	rddreg [dreg:$0x9]  }
0xba: {  	[sflag:s3] =	ssyncadd.s32 $0xFFFFECF0;
	s20 =	sadd.s32 s19, s25;
	s25 =	simm.s32 $0x11480  }
0xbb: {  	[hbm4b:s20+s4] =	stream.linear.scatter [tilespmem:s25], [sflag:$0xC], $0x2710, $0x38;
	[tilespmem:$0x13C00] =	vst v63  }
0xbc: {  	s12 =	simm.s32 $0x7680;
	s31 =	sadd.s32 s19, s23  }
0xbd: {  	[tilespmem:s12], [sflag:$0x4] =	stream.linear.gather [hbm4b:s31+s4], $0x2710, $0x38;
	[tilespmem:$0x13C00] =	vst v63  }
0xbe: {  	_ =	swait.ge [sflag:s30], $0x2710  }
0xbf: {  	[sflag:s30] =	ssyncset.done $0x0  }
0xc0: {  	[sflag:s30] =	ssyncadd.s32 $0xFFFFD8F0  }
0xc1: {  	_ =	swait.ge [sflag:s2], $0x2710  }
0xc2: {  	[sflag:s2] =	ssyncset.done $0x0  }
0xc3: {  	s18 =	simm.s32 $0xC580;
	s31 =	simm.s32 $0x2780;
	[sflag:s2] =	ssyncadd.s32 $0xFFFFD8F0  }
0xc4: {  	[tilespmem:s18], [sflag:$0x6] =	stream.indirect.gather [hbm4b:s1+s26], $0x1, s31, s26, $0xb8;
	[tilespmem:$0x13C00] =	vst v63  }
0xc5: {  	s23 =	simm.s32 $0xD980;
	s20 =	simm.s32 $0x3B80  }
0xc6: {  	[tilespmem:s23], [sflag:$0xE] =	stream.indirect.gather [hbm4b:s1+s29], $0x1, s20, s29, $0xb8;
	[tilespmem:$0x13C00] =	vst v63  }
0xc7: {  	_ =	swait.ge [sflag:s8], $0x1400  }
0xc8: {  	[sflag:s8] =	ssyncset.done $0x0  }
0xc9: {  	[sflag:s8] =	ssyncadd.s32 $0xFFFFEC00  }
0xca: {  	_ =	swait.ge [sflag:s10], $0x1310  }
0xcb: {  	s20 =	sshrl.u32 s14, $0x3;
	[sflag:s10] =	ssyncset.done $0x0  }
0xcc: {  	s20 =	sadd.s32 s24, s20;
	s23 =	rddreg [dreg:$0x7];
	[sflag:s10] =	ssyncadd.s32 $0xFFFFECF0  }
0xcd: {  	[hbm4b:s20+s4] =	stream.linear.scatter [tilespmem:s0], [sflag:$0x9], $0x2710, $0x38;
	[tilespmem:$0x13C00] =	vst v63  }
0xce: {  	s0 =	sadd.s32 s19, s23  }
0xcf: {  	[tilespmem:s4], [sflag:$0x1] =	stream.linear.gather [hbm4b:s0+s4], $0x2710, $0x38;
	[tilespmem:$0x13C00] =	vst v63  }
0xd0: {  	_ =	swait.ge [sflag:s6], $0x2710  }
0xd1: {  	[sflag:s6] =	ssyncset.done $0x0  }
0xd2: {  	[sflag:s6] =	ssyncadd.s32 $0xFFFFD8F0  }
0xd3: {  	_ =	swait.ge [sflag:s11], $0x2710  }
0xd4: {  	[sflag:s11] =	ssyncset.done $0x0  }
0xd5: {  	s0 =	simm.s32 $0xED00;
	[sflag:s11] =	ssyncadd.s32 $0xFFFFD8F0  }
0xd6: {  	[tilespmem:s0], [sflag:$0x7] =	stream.indirect.gather [hbm4b:s1+s26], $0x1, s28, s26, $0xb8;
	[tilespmem:$0x13C00] =	vst v63  }
0xd7: {  	s20 =	simm.s32 $0x6300;
	s23 =	simm.s32 $0x10100  }
0xd8: {  	[tilespmem:s23], [sflag:$0xF] =	stream.indirect.gather [hbm4b:s1+s29], $0x1, s20, s29, $0xb8;
	[tilespmem:$0x13C00] =	vst v63  }
0xd9: {  	_ =	swait.ge [sflag:s15], $0x1400  }
0xda: {  	[sflag:s15] =	ssyncset.done $0x0  }
0xdb: {  	[sflag:s15] =	ssyncadd.s32 $0xFFFFEC00  }
0xdc: {  	_ =	swait.ge [sflag:s16], $0x1310  }
0xdd: {  	s20 =	rddreg [dreg:$0x8];
	[sflag:s16] =	ssyncset.done $0x0  }
0xde: {  	s23 =	rddreg [dreg:$0x5];
	[sflag:s16] =	ssyncadd.s32 $0xFFFFECF0;
	s20 =	sadd.s32 s19, s20  }
0xdf: {  	[hbm4b:s20+s4] =	stream.linear.scatter [tilespmem:s18], [sflag:$0xA], $0x2710, $0x38;
	[tilespmem:$0x13C00] =	vst v63  }
0xe0: {  	s18 =	sadd.s32 s19, s23  }
0xe1: {  	[tilespmem:s31], [sflag:$0x2] =	stream.linear.gather [hbm4b:s18+s4], $0x2710, $0x38;
	[tilespmem:$0x13C00] =	vst v63  }
0xe2: {  	_ =	swait.ge [sflag:s7], $0x2710  }
0xe3: {  	[sflag:s7] =	ssyncset.done $0x0  }
0xe4: {  	[sflag:s7] =	ssyncadd.s32 $0xFFFFD8F0  }
0xe5: {  	_ =	swait.ge [sflag:s17], $0x2710  }
0xe6: {  	[sflag:s17] =	ssyncset.done $0x0  }
0xe7: {  	[sflag:s17] =	ssyncadd.s32 $0xFFFFD8F0  }
0xe8: {  	[tilespmem:s25], [sflag:$0x8] =	stream.indirect.gather [hbm4b:s1+s26], $0x1, s12, s26, $0xb8;
	[tilespmem:$0x13C00] =	vst v63  }
0xe9: {  	s20 =	simm.s32 $0x8A80;
	s23 =	simm.s32 $0x12880  }
0xea: {  	[tilespmem:s23], [sflag:$0x10] =	stream.indirect.gather [hbm4b:s1+s29], $0x1, s20, s29, $0xb8;
	[tilespmem:$0x13C00] =	vst v63  }
0xeb: {  	_ =	swait.ge [sflag:s21], $0x1400  }
0xec: {  	[sflag:s21] =	ssyncset.done $0x0  }
0xed: {  	p0 =	sne.s32 s13, $0x2710;
	[sflag:s21] =	ssyncadd.s32 $0xFFFFEC00  }
.Ltmp0:
0xee: {  	_ =	swait.ge [sflag:s5], $0x1310;
	(pc) =	sbr.rel @p0 .LBB2_2-.Ltmp0, $4  }
0xef: {  	s13 =	sadd.s32 $0x1388, s13;
	s14 =	sadd.s32 $0x9C40, s14;
	s25 =	rddreg [dreg:$0x6]  }
0xf0: {  	s28 =	simm.s32 $0x2780;
	s31 =	rddreg [dreg:$0x4];
	[sflag:s5] =	ssyncset.done $0x0  }
0xf1: {  	[sflag:s5] =	ssyncadd.s32 $0xFFFFECF0;
	s20 =	sadd.s32 s19, s25;
	s19 =	sadd.s32 s19, s31  }
0xf2: {  	[hbm4b:s20+s4] =	stream.linear.scatter [tilespmem:s0], [sflag:$0xB], $0x2710, $0x38;
	[tilespmem:$0x13C00] =	vst v63  }
0xf3: {  	s14 =	simm.s32 $0x4F00  }
0xf4: {  	[tilespmem:s14], [sflag:$0x3] =	stream.linear.gather [hbm4b:s19+s4], $0x2710, $0x38;
	[tilespmem:$0x13C00] =	vst v63  }
0xf5: {  	_ =	swait.ge [sflag:s9], $0x2710  }
0xf6: {  	[sflag:s9] =	ssyncset.done $0x0  }
0xf7: {  	s0 =	simm.s32 $0x1;
	[sflag:s9] =	ssyncadd.s32 $0xFFFFD8F0  }
0xf8: {  	_ =	swait.ge [sflag:s0], $0x2710  }
0xf9: {  	[sflag:s0] =	ssyncset.done $0x0  }
0xfa: {  	[sflag:s0] =	ssyncadd.s32 $0xFFFFD8F0;
	s0 =	simm.s32 $0x9E00  }
0xfb: {  	[tilespmem:s0], [sflag:$0x5] =	stream.indirect.gather [hbm4b:s1+s26], $0x1, s4, s26, $0xb8;
	[tilespmem:$0x13C00] =	vst v63  }
0xfc: {  	s13 =	simm.s32 $0xB200  }
0xfd: {  	[tilespmem:s13], [sflag:$0xD] =	stream.indirect.gather [hbm4b:s1+s29], $0x1, s26, s29, $0xb8;
	[tilespmem:$0x13C00] =	vst v63  }
0xfe: {  	_ =	swait.ge [sflag:s22], $0x1400  }
0xff: {  	[sflag:s22] =	ssyncset.done $0x0  }
0x100: {  	[sflag:s22] =	ssyncadd.s32 $0xFFFFEC00  }
0x101: {  	_ =	swait.ge [sflag:s3], $0x1310  }
0x102: {  	[sflag:s3] =	ssyncset.done $0x0  }
0x103: {  	s20 =	simm.s32 $0x11480;
	s23 =	rddreg [dreg:$0x15];
	[sflag:s3] =	ssyncadd.s32 $0xFFFFECF0  }
0x104: {  	[hbm4b:s23+s4] =	stream.linear.scatter [tilespmem:s20], [sflag:$0xC], $0x2710, $0x38;
	[tilespmem:$0x13C00] =	vst v63  }
0x105: {  	s12 =	simm.s32 $0x7680;
	s25 =	rddreg [dreg:$0x16]  }
0x106: {  	[tilespmem:s12], [sflag:$0x4] =	stream.linear.gather [hbm4b:s25+s4], $0x2710, $0x38;
	[tilespmem:$0x13C00] =	vst v63  }
0x107: {  	_ =	swait.ge [sflag:s30], $0x2710  }
0x108: {  	[sflag:s30] =	ssyncset.done $0x0  }
0x109: {  	[sflag:s30] =	ssyncadd.s32 $0xFFFFD8F0  }
0x10a: {  	_ =	swait.ge [sflag:s2], $0x2710  }
0x10b: {  	[sflag:s2] =	ssyncset.done $0x0  }
0x10c: {  	s18 =	simm.s32 $0xC580;
	[sflag:s2] =	ssyncadd.s32 $0xFFFFD8F0  }
0x10d: {  	[tilespmem:s18], [sflag:$0x6] =	stream.indirect.gather [hbm4b:s1+s26], $0x1, s28, s26, $0xb8;
	[tilespmem:$0x13C00] =	vst v63  }
0x10e: {  	s31 =	simm.s32 $0xD980;
	s28 =	simm.s32 $0x3B80  }
0x10f: {  	[tilespmem:s31], [sflag:$0xE] =	stream.indirect.gather [hbm4b:s1+s29], $0x1, s28, s29, $0xb8;
	[tilespmem:$0x13C00] =	vst v63  }
0x110: {  	_ =	swait.ge [sflag:s8], $0x1400  }
0x111: {  	[sflag:s8] =	ssyncset.done $0x0  }
0x112: {  	[sflag:s8] =	ssyncadd.s32 $0xFFFFEC00  }
0x113: {  	_ =	swait.ge [sflag:s10], $0x1310  }
0x114: {  	[sflag:s10] =	ssyncset.done $0x0  }
0x115: {  	s23 =	rddreg [dreg:$0x17];
	[sflag:s10] =	ssyncadd.s32 $0xFFFFECF0  }
0x116: {  	[hbm4b:s23+s4] =	stream.linear.scatter [tilespmem:s0], [sflag:$0x9], $0x2710, $0x38;
	[tilespmem:$0x13C00] =	vst v63  }
0x117: {  	_ =	swait.ge [sflag:s6], $0x2710  }
0x118: {  	[sflag:s6] =	ssyncset.done $0x0  }
0x119: {  	[sflag:s6] =	ssyncadd.s32 $0xFFFFD8F0  }
0x11a: {  	_ =	swait.ge [sflag:s11], $0x2710  }
0x11b: {  	[sflag:s11] =	ssyncset.done $0x0  }
0x11c: {  	s25 =	simm.s32 $0xED00;
	[sflag:s11] =	ssyncadd.s32 $0xFFFFD8F0  }
0x11d: {  	[tilespmem:s25], [sflag:$0x7] =	stream.indirect.gather [hbm4b:s1+s26], $0x1, s14, s26, $0xb8;
	[tilespmem:$0x13C00] =	vst v63  }
0x11e: {  	s28 =	simm.s32 $0x6300;
	s31 =	simm.s32 $0x10100  }
0x11f: {  	[tilespmem:s31], [sflag:$0xF] =	stream.indirect.gather [hbm4b:s1+s29], $0x1, s28, s29, $0xb8;
	[tilespmem:$0x13C00] =	vst v63  }
0x120: {  	_ =	swait.ge [sflag:s15], $0x1400  }
0x121: {  	[sflag:s15] =	ssyncset.done $0x0  }
0x122: {  	[sflag:s15] =	ssyncadd.s32 $0xFFFFEC00  }
0x123: {  	_ =	swait.ge [sflag:s16], $0x1310  }
0x124: {  	[sflag:s16] =	ssyncset.done $0x0  }
0x125: {  	s14 =	rddreg [dreg:$0x18];
	[sflag:s16] =	ssyncadd.s32 $0xFFFFECF0  }
0x126: {  	[hbm4b:s14+s4] =	stream.linear.scatter [tilespmem:s18], [sflag:$0xA], $0x2710, $0x38;
	[tilespmem:$0x13C00] =	vst v63  }
0x127: {  	_ =	swait.ge [sflag:s7], $0x2710  }
0x128: {  	[sflag:s7] =	ssyncset.done $0x0  }
0x129: {  	[sflag:s7] =	ssyncadd.s32 $0xFFFFD8F0  }
0x12a: {  	_ =	swait.ge [sflag:s17], $0x2710  }
0x12b: {  	[sflag:s17] =	ssyncset.done $0x0  }
0x12c: {  	[sflag:s17] =	ssyncadd.s32 $0xFFFFD8F0  }
0x12d: {  	[tilespmem:s20], [sflag:$0x8] =	stream.indirect.gather [hbm4b:s1+s26], $0x1, s12, s26, $0xb8;
	[tilespmem:$0x13C00] =	vst v63  }
0x12e: {  	s19 =	simm.s32 $0x12880;
	s18 =	simm.s32 $0x8A80  }
0x12f: {  	[tilespmem:s19], [sflag:$0x10] =	stream.indirect.gather [hbm4b:s1+s29], $0x1, s18, s29, $0xb8;
	[tilespmem:$0x13C00] =	vst v63  }
0x130: {  	_ =	swait.ge [sflag:s21], $0x1400  }
0x131: {  	[sflag:s21] =	ssyncset.done $0x0  }
0x132: {  	[sflag:s21] =	ssyncadd.s32 $0xFFFFEC00  }
0x133: {  	_ =	swait.ge [sflag:s5], $0x1310  }
0x134: {  	[sflag:s5] =	ssyncset.done $0x0  }
0x135: {  	s23 =	rddreg [dreg:$0x19];
	[sflag:s5] =	ssyncadd.s32 $0xFFFFECF0  }
0x136: {  	[hbm4b:s23+s4] =	stream.linear.scatter [tilespmem:s25], [sflag:$0xB], $0x2710, $0x38;
	[tilespmem:$0x13C00] =	vst v63  }
0x137: {  	_ =	swait.ge [sflag:s22], $0x1400  }
0x138: {  	[sflag:s22] =	ssyncset.done $0x0  }
0x139: {  	[sflag:s22] =	ssyncadd.s32 $0xFFFFEC00  }
0x13a: {  	_ =	swait.ge [sflag:s3], $0x1310  }
0x13b: {  	[sflag:s3] =	ssyncset.done $0x0  }
0x13c: {  	s25 =	rddreg [dreg:$0x1a];
	[sflag:s3] =	ssyncadd.s32 $0xFFFFECF0  }
0x13d: {  	[hbm4b:s25+s4] =	stream.linear.scatter [tilespmem:s20], [sflag:$0xC], $0x2710, $0x38;
	[tilespmem:$0x13C00] =	vst v63  }
0x13e: {  	_ =	swait.ge [sflag:s9], $0x2710  }
0x13f: {  	[sflag:s9] =	ssyncset.done $0x0  }
0x140: {  	[sflag:s9] =	ssyncadd.s32 $0xFFFFD8F0  }
0x141: {  	_ =	swait.ge [sflag:s30], $0x2710  }
0x142: {  	[sflag:s30] =	ssyncset.done $0x0  }
0x143: {  	[sflag:s30] =	ssyncadd.s32 $0xFFFFD8F0  }
0x144: {  	_ =	swait.ge [sflag:s6], $0x2710  }
0x145: {  	[sflag:s6] =	ssyncset.done $0x0  }
0x146: {  	[sflag:s6] =	ssyncadd.s32 $0xFFFFD8F0  }
0x147: {  	_ =	swait.ge [sflag:s7], $0x2710  }
0x148: {  	s28 =	rddreg [dreg:$0x1d]  }
0x149: {  	s31 =	rddreg [dreg:$0x1b];
	s0 =	sadd.s32 $0x1, s28  }
0x14a: {  	p0 =	sne.s32 s0, s31  }
.Ltmp1:
0x14b: {  	_ = 	snop;
	(pc) =	sbr.rel @p0 .LBB2_1-.Ltmp1, $3  }
0x14c: {  	_ =	sdelay $0x1  }
0x14d: {  	[sflag:s7] =	ssyncset.done $0x0  }
0x14e: {  	[sflag:s7] =	ssyncadd.s32 $0xFFFFD8F0  }
0x14f: {  	_ =	sfence.sel $0x180000  }
0x150: {  	[bflag:$0x0] =	sbarrier.arrive $0xFFFF  }
0x151: {  	_ =	strace $0x90000047  }
0x152: {  	s0 =	stileid.u32;
	[bflag:$0x2] =	sbarrier.arrive $0xFFFF  }
0x153: {  	p0 =	sne.s32 s0, $0x0;
	s0 =	rddreg [dreg:$0x3]  }
0x154: {  	s0 =	sadd.s32 @!p0 $0x100000, s0  }
0x155: {  	[sflag:s0] =	ssyncadd.tile.s32 @!p0 $0x1;
	_ =	shalt  }
.Lfunc_end2:
_tile_overlayer_lowered:
.L_overlay_start_2:
0x156: {  	(tag) =	ssettag $0x2  }
0x157: {  	s0 =	rddreg [dreg:$0x0];
	s2 =	stileid.u32  }
0x158: {  	s1 =	rddreg [dreg:$0x1];
	p0 =	sne.s32 s2, $0x0  }
0x159: {  	s3 =	rddreg [dreg:$0x2];
	[bflag:$0x3] =	sbarrier.arrive $0xFFFF;
	s2 =	simm.s32 @!p0 $0x1C11  }
0x15a: {  	[timem:s3], [sflag:s2] =	dma.local @!p0 [hbm:s0], s1  }
0x15b: {  	s0 =	simm.s32 @!p0 $0x11  }
0x15c: {  	_ =	swait.ge @!p0 [sflag:s0], s1  }
0x15d: {  	s1 =	ssub.s32 @!p0 $0x0, s1;
	[sflag:s0] =	ssyncset.done @!p0 $0x0  }
0x15e: {  	[sflag:s0] =	ssyncadd.s32 @!p0 s1  }
0x15f: {  	[bflag:$0x3] =	sbarrier.arrive $0xFFFF  }
0x160: {  	_ =	shalt  }

</sc_bundles>
